<compile_context>
chip_gen: v7x
topology: tpu7x:2x2x1
jax: 0.10.2.dev20260603
libtpu: 0.0.44.dev20260713+nightly
codegen_flags: <defaults>
</compile_context>

<pallas_src>
import functools

import jax
import jax.numpy as jnp
from jax import lax
from jax.experimental import pallas as pl
from jax.experimental.pallas import tpu as pltpu
from jax.experimental.pallas import tpu_sc as plsc

HOPS = 3


def _make_segsum(bsz: int, mem: int, seg_len: int, d: int):
    info = plsc.get_sparse_core_info()
    nc, ns = info.num_cores, info.num_subcores
    nw = nc * ns
    n_mem_seg = bsz * mem
    assert n_mem_seg % nw == 0 and bsz % nw == 0
    mseg_w = n_mem_seg // nw
    useg_w = bsz // nw
    b_per_w = bsz // nw
    assert mseg_w == b_per_w * mem
    cs = 32
    assert mseg_w % cs == 0 and useg_w == cs
    nch_m = mseg_w // cs
    nch = nch_m + 1
    rpc = cs * seg_len
    assert rpc % 128 == 0
    ndma = rpc // 128
    assert d % 16 == 0
    dv = d // 16

    mesh = plsc.VectorSubcoreMesh(core_axis_name="c", subcore_axis_name="s")

    @functools.partial(
        pl.kernel,
        mesh=mesh,
        out_type=[
            jax.ShapeDtypeStruct((bsz, mem, d), jnp.float32),
            jax.ShapeDtypeStruct((bsz, d), jnp.float32),
        ],
        compiler_params=pltpu.CompilerParams(use_tc_tiling_on_sc=False),
        scratch_types=[
            pltpu.VMEM((2 * rpc,), jnp.int32),
            pltpu.VMEM((2 * rpc, d // 2), jnp.int32),
            pltpu.VMEM((mseg_w + useg_w, d), jnp.float32),
            pltpu.SemaphoreType.DMA,
            pltpu.SemaphoreType.DMA,
        ],
    )
    def segsum(midx_hbm, uidx_hbm, emb_hbm, oms_hbm, octx_hbm,
               idx_v, rows_v, out_v, sem_i, sem_g):
        wid = lax.axis_index("s") * nc + lax.axis_index("c")
        mbase = wid * mseg_w * seg_len
        ubase = wid * useg_w * seg_len

        def fire_idx(c):
            buf = lax.rem(c, 2) * rpc
            dst = idx_v.at[pl.ds(buf, rpc)]

            @pl.when(c < nch_m)
            def _():
                pltpu.async_copy(
                    midx_hbm.at[pl.ds(mbase + c * rpc, rpc)], dst, sem_i
                )

            @pl.when(c >= nch_m)
            def _():
                pltpu.async_copy(uidx_hbm.at[pl.ds(ubase, rpc)], dst, sem_i)

        def wait_idx():
            pltpu.make_async_copy(
                uidx_hbm.at[pl.ds(0, rpc)], idx_v.at[pl.ds(0, rpc)], sem_i
            ).wait()

        def fire_gathers(c):
            buf = lax.rem(c, 2) * rpc
            for j in range(ndma):
                pltpu.async_copy(
                    emb_hbm.at[idx_v.at[pl.ds(buf + j * 128, 128)]],
                    rows_v.at[pl.ds(buf + j * 128, 128)],
                    sem_g,
                )

        def wait_gathers():
            for j in range(ndma):
                pltpu.make_async_copy(
                    emb_hbm.at[pl.ds(0, 128)],
                    rows_v.at[pl.ds(j * 128, 128)],
                    sem_g,
                ).wait()

        fire_idx(0)
        fire_idx(1)
        wait_idx()
        fire_gathers(0)

        def chunk_body(c, _):
            wait_idx()
            fire_gathers(jnp.minimum(c + 1, nch - 1))
            wait_gathers()
            fire_idx(jnp.minimum(c + 2, nch - 1))
            rbase = lax.rem(c, 2) * rpc

            hi_mask = jnp.full((16,), -65536, dtype=jnp.int32)
            sh16 = jnp.full((16,), 16, dtype=jnp.int32)

            def unpack2(u):
                lo = lax.bitcast_convert_type(
                    lax.shift_left(u, sh16), jnp.float32
                )
                hi = lax.bitcast_convert_type(
                    lax.bitwise_and(u, hi_mask), jnp.float32
                )
                return lo, hi

            def seg_body(s, _):
                base = rbase + s * seg_len
                acc0, acc1 = unpack2(rows_v[base, :])
                for j in range(1, seg_len):
                    a, bq = unpack2(rows_v[base + j, :])
                    acc0 = acc0 + a
                    acc1 = acc1 + bq
                out_v[c * cs + s, pl.ds(0, 16)] = acc0
                out_v[c * cs + s, pl.ds(16, 16)] = acc1
                return 0

            lax.fori_loop(0, cs, seg_body, 0)
            return 0

        lax.fori_loop(0, nch, chunk_body, 0)
        wait_idx()
        wait_gathers()

        def out_body(i, _):
            pltpu.async_copy(
                out_v.at[pl.ds(i * mem, mem)],
                oms_hbm.at[wid * b_per_w + i],
                sem_i,
            )
            return 0

        lax.fori_loop(0, b_per_w, out_body, 0)
        pltpu.sync_copy(
            out_v.at[pl.ds(mseg_w, useg_w)],
            octx_hbm.at[pl.ds(wid * useg_w, useg_w)],
        )

        def drain_body(i, _):
            pltpu.make_async_copy(
                oms_hbm.at[wid * b_per_w],
                out_v.at[pl.ds(0, mem)],
                sem_i,
            ).wait()
            return 0

        lax.fori_loop(0, b_per_w, drain_body, 0)

    return segsum


def _hops_body(ms_ref, ctx_ref, w_ref, b_ref, out_ref):
    mem = ms_ref.shape[1]
    cols = [ms_ref[:, m, :].T for m in range(mem)]
    ms = jnp.stack(cols, axis=0)
    ctx = ctx_ref[...].T
    w = w_ref[...]
    bv = b_ref[...]
    for _ in range(HOPS):
        attn = jnp.sum(ms * ctx[None, :, :], axis=1)
        attn = attn - jnp.max(attn, axis=0, keepdims=True)
        e = jnp.exp(attn)
        p = e / jnp.sum(e, axis=0, keepdims=True)
        stories = jnp.sum(p[:, None, :] * ms, axis=0)
        ctx = (
            jnp.dot(w, ctx, preferred_element_type=jnp.float32) + bv + stories
        )
    out_ref[...] = ctx.T


def kernel(utter, memory, emb, W, b):
    bsz, seq = utter.shape
    _, mem, _ = memory.shape
    _, d = emb.shape

    midx = memory.reshape(-1).astype(jnp.int32)
    uidx = utter.reshape(-1).astype(jnp.int32)

    h = d // 2
    emb16 = emb.astype(jnp.bfloat16)
    emb_pk = jax.lax.bitcast_convert_type(
        emb16.reshape(-1, h, 2), jnp.int32
    )

    ms2, ctx0 = _make_segsum(bsz, mem, seq, d)(midx, uidx, emb_pk)

    stored = jnp.concatenate([2 * jnp.arange(h), 2 * jnp.arange(h) + 1])
    inv = jnp.arange(d) // 2 + (jnp.arange(d) % 2) * h
    W = W[stored][:, stored]
    b = b[stored]

    bb = 128
    grid = (bsz // bb,)
    out = pl.pallas_call(
        _hops_body,
        grid=grid,
        in_specs=[
            pl.BlockSpec((bb, mem, d), lambda i: (i, 0, 0)),
            pl.BlockSpec((bb, d), lambda i: (i, 0)),
            pl.BlockSpec((d, d), lambda i: (0, 0)),
            pl.BlockSpec((d, 1), lambda i: (0, 0)),
        ],
        out_specs=pl.BlockSpec((bb, d), lambda i: (i, 0)),
        out_shape=jax.ShapeDtypeStruct((bsz, d), jnp.float32),
    )(ms2, ctx0, W, b.reshape(d, 1))
    return out[:, inv]

# --- scband reference (transcript-rebuilt; emitter-appended) ---
"""Pipeline reference for scband-mem-n2-n-72593537237019 (READ-ONLY COPY).

The authoritative reference and input builder live on the scoring server;
editing this copy changes nothing except your own understanding.
"""

import jax, jax.numpy as jnp
import numpy as np

HOPS = 3
VOCAB = 100000
D = 32
B = 1024
MEM = 50
L = 20


def setup_inputs(seed: int = 0) -> dict:
    key = jax.random.key(seed)
    k1, k2, k3, k4, k5 = jax.random.split(key, 5)
    utter = jax.random.randint(k1, (B, L), 0, VOCAB, dtype=jnp.int64 if jax.config.jax_enable_x64 else jnp.int32)
    memory = jax.random.randint(k2, (B, MEM, L), 0, VOCAB, dtype=jnp.int64 if jax.config.jax_enable_x64 else jnp.int32)
    emb = 0.1 * jax.random.normal(k3, (VOCAB, D), dtype=jnp.float32)
    emb = emb.at[0].set(0.0)  # weights_init zeroes embedding row 0
    W = 0.1 * jax.random.normal(k4, (D, D), dtype=jnp.float32)
    b = 0.1 * jax.random.normal(k5, (D,), dtype=jnp.float32)
    return {"utter": utter, "memory": memory, "emb": emb, "W": W, "b": b}


def reference(utter, memory, emb, W, b):
    # utter_emb = embedding(utter); sum over token dim
    utter_emb = jnp.take(emb, utter, axis=0)          # [B, L, D]
    context = jnp.sum(utter_emb, axis=1)              # [B, D]
    for _ in range(HOPS):
        # embed_3d: flatten then lookup then reshape == direct gather
        mem_emb = jnp.take(emb, memory, axis=0)       # [B, MEM, L, D]
        mem_sum = jnp.sum(mem_emb, axis=2)            # [B, MEM, D]
        # context_temp: [B,D] -> [B,1,D]; attention over feature dim
        attn = jnp.sum(mem_sum * context[:, None, :], axis=2)   # [B, MEM]
        attn = jax.nn.softmax(attn, axis=1)
        attn_stories = jnp.sum(attn[:, :, None] * mem_sum, axis=1)  # [B, D]
        context = context @ W.T + b + attn_stories
    return context

if __name__ == "__main__":
    import jax
    _d = setup_inputs()
    print(jax.jit(kernel)(*tuple(_d.values())))

</pallas_src>

<mosaic_0001>
#map = affine_map<(d0, d1) -> (0)>
#map1 = affine_map<(d0, d1) -> (0, 0)>
#map2 = affine_map<(d0, d1) -> (0, 0, 0)>
module attributes {stable_mosaic.version = 14 : i64} {
  func.func @segsum(%arg0: i32, %arg1: i32, %arg2: memref<1024000xi32, #tpu.memory_space<hbm>>, %arg3: memref<20480xi32, #tpu.memory_space<hbm>>, %arg4: memref<100000x16xi32, #tpu.memory_space<hbm>>, %arg5: memref<1024x50x32xf32, #tpu.memory_space<hbm>>, %arg6: memref<1024x32xf32, #tpu.memory_space<hbm>>, %arg7: memref<1280xi32, #tpu.memory_space<vmem>>, %arg8: memref<1280x16xi32, #tpu.memory_space<vmem>>, %arg9: memref<1632x32xf32, #tpu.memory_space<vmem>>, %arg10: memref<!tpu.dma_semaphore, #tpu.memory_space<semaphore_mem>>, %arg11: memref<!tpu.dma_semaphore, #tpu.memory_space<semaphore_mem>>) attributes {dimension_semantics = [#tpu.dimension_semantics<core_parallel>, #tpu.dimension_semantics<subcore_parallel>], iteration_bounds = array<i64: 2, 16>, scalar_prefetch = 0 : i64, scratch_operands = 5 : i64, tpu.core_type = #tpu.core_type<sc_vector_subcore>, window_params = [{transform_indices = #map}, {transform_indices = #map}, {transform_indices = #map1}, {transform_indices = #map2}, {transform_indices = #map1}]} {
    %mul3A = arith.constant 2 : i32
    %mul3A_0 = arith.muli %arg1, %mul3A : i32
    %add3A = arith.addi %mul3A_0, %arg0 : i32
    %mul3A_1 = arith.constant 1600 : i32
    %mul3A_2 = arith.muli %add3A, %mul3A_1 : i32
    %mul3A_3 = arith.constant 20 : i32
    %mul3A_4 = arith.muli %mul3A_2, %mul3A_3 : i32
    %mul3A_5 = arith.constant 32 : i32
    %mul3A_6 = arith.muli %add3A, %mul3A_5 : i32
    %mul3A_7 = arith.constant 20 : i32
    %mul3A_8 = arith.muli %mul3A_6, %mul3A_7 : i32
    %rem3A = arith.constant 0 : i32
    %rem3A_9 = arith.constant 2 : i32
    %rem3A_10 = arith.remsi %rem3A, %rem3A_9 : i32
    %mul3A_11 = arith.constant 640 : i32
    %mul3A_12 = arith.muli %rem3A_10, %mul3A_11 : i32
    %add3A_13 = arith.constant 0 : i32
    %add3A_14 = arith.addi %mul3A_4, %add3A_13 : i32
    %dma_start3A = tpu.memref_slice %arg7[%mul3A_12] : memref<1280xi32, #tpu.memory_space<vmem>> -> memref<640xi32, #tpu.memory_space<vmem>>
    %dma_start3A_15 = tpu.memref_slice %arg2[%add3A_14] : memref<1024000xi32, #tpu.memory_space<hbm>> -> memref<640xi32, #tpu.memory_space<hbm>>
    %dma_start3A_16 = tpu.memref_slice %arg7[%mul3A_12] : memref<1280xi32, #tpu.memory_space<vmem>> -> memref<640xi32, #tpu.memory_space<vmem>>
    %dma_start3A_17 = tpu.memref_slice %arg2[%add3A_14] : memref<1024000xi32, #tpu.memory_space<hbm>> -> memref<640xi32, #tpu.memory_space<hbm>>
    tpu.enqueue_dma source(%dma_start3A_17 : memref<640xi32, #tpu.memory_space<hbm>>) target(%dma_start3A_16 : memref<640xi32, #tpu.memory_space<vmem>>) target_semaphore(%arg10 : memref<!tpu.dma_semaphore, #tpu.memory_space<semaphore_mem>>)
    %rem3A_18 = arith.constant 1 : i32
    %rem3A_19 = arith.constant 2 : i32
    %rem3A_20 = arith.remsi %rem3A_18, %rem3A_19 : i32
    %mul3A_21 = arith.constant 640 : i32
    %mul3A_22 = arith.muli %rem3A_20, %mul3A_21 : i32
    %add3A_23 = arith.constant 640 : i32
    %add3A_24 = arith.addi %mul3A_4, %add3A_23 : i32
    %dma_start3A_25 = tpu.memref_slice %arg7[%mul3A_22] : memref<1280xi32, #tpu.memory_space<vmem>> -> memref<640xi32, #tpu.memory_space<vmem>>
    %dma_start3A_26 = tpu.memref_slice %arg2[%add3A_24] : memref<1024000xi32, #tpu.memory_space<hbm>> -> memref<640xi32, #tpu.memory_space<hbm>>
    %dma_start3A_27 = tpu.memref_slice %arg7[%mul3A_22] : memref<1280xi32, #tpu.memory_space<vmem>> -> memref<640xi32, #tpu.memory_space<vmem>>
    %dma_start3A_28 = tpu.memref_slice %arg2[%add3A_24] : memref<1024000xi32, #tpu.memory_space<hbm>> -> memref<640xi32, #tpu.memory_space<hbm>>
    tpu.enqueue_dma source(%dma_start3A_28 : memref<640xi32, #tpu.memory_space<hbm>>) target(%dma_start3A_27 : memref<640xi32, #tpu.memory_space<vmem>>) target_semaphore(%arg10 : memref<!tpu.dma_semaphore, #tpu.memory_space<semaphore_mem>>)
    %dma_wait3A = arith.constant 0 : i32
    %dma_wait3A_29 = tpu.memref_slice %arg7[%dma_wait3A] : memref<1280xi32, #tpu.memory_space<vmem>> -> memref<640xi32, #tpu.memory_space<vmem>>
    %dma_wait3A_30 = arith.constant 0 : i32
    %dma_wait3A_31 = tpu.memref_slice %arg3[%dma_wait3A_30] : memref<20480xi32, #tpu.memory_space<hbm>> -> memref<640xi32, #tpu.memory_space<hbm>>
    %dma_wait3A_32 = arith.constant 0 : i32
    %dma_wait3A_33 = tpu.memref_slice %arg7[%dma_wait3A_32] : memref<1280xi32, #tpu.memory_space<vmem>> -> memref<640xi32, #tpu.memory_space<vmem>>
    %dma_wait3A_34 = arith.constant 0 : i32
    %dma_wait3A_35 = tpu.memref_slice %arg3[%dma_wait3A_34] : memref<20480xi32, #tpu.memory_space<hbm>> -> memref<640xi32, #tpu.memory_space<hbm>>
    tpu.wait_dma2 semaphore(%arg10 : memref<!tpu.dma_semaphore, #tpu.memory_space<semaphore_mem>>) src(%dma_wait3A_35 : memref<640xi32, #tpu.memory_space<hbm>>) dst(%dma_wait3A_33 : memref<640xi32, #tpu.memory_space<vmem>>)
    %rem3A_36 = arith.constant 0 : i32
    %rem3A_37 = arith.constant 2 : i32
    %rem3A_38 = arith.remsi %rem3A_36, %rem3A_37 : i32
    %mul3A_39 = arith.constant 640 : i32
    %mul3A_40 = arith.muli %rem3A_38, %mul3A_39 : i32
    %add3A_41 = arith.constant 0 : i32
    %add3A_42 = arith.addi %mul3A_40, %add3A_41 : i32
    %add3A_43 = arith.constant 0 : i32
    %add3A_44 = arith.addi %mul3A_40, %add3A_43 : i32
    %dma_start3A_45 = arith.constant 0 : i32
    %dma_start3A_46 = tpu.memref_slice %arg8[%add3A_44, %dma_start3A_45] : memref<1280x16xi32, #tpu.memory_space<vmem>> -> memref<128x16xi32, #tpu.memory_space<vmem>>
    %dma_start3A_47 = tpu.memref_slice %arg7[%add3A_42] : memref<1280xi32, #tpu.memory_space<vmem>> -> memref<128xi32, #tpu.memory_space<vmem>>
    %dma_start3A_48 = arith.constant 0 : i32
    %dma_start3A_49 = arith.constant 0 : i32
    %dma_start3A_50 = tpu.memref_slice %arg4[%dma_start3A_48, %dma_start3A_49] : memref<100000x16xi32, #tpu.memory_space<hbm>> -> memref<100000x16xi32, #tpu.memory_space<hbm>>
    tpu.enqueue_indirect_dma source(%dma_start3A_50 : memref<100000x16xi32, #tpu.memory_space<hbm>>) target(%dma_start3A_46 : memref<128x16xi32, #tpu.memory_space<vmem>>) offsets(%dma_start3A_47 : memref<128xi32, #tpu.memory_space<vmem>>) semaphore(%arg11 : memref<!tpu.dma_semaphore, #tpu.memory_space<semaphore_mem>>)
    %add3A_51 = arith.constant 128 : i32
    %add3A_52 = arith.addi %mul3A_40, %add3A_51 : i32
    %add3A_53 = arith.constant 128 : i32
    %add3A_54 = arith.addi %mul3A_40, %add3A_53 : i32
    %dma_start3A_55 = arith.constant 0 : i32
    %dma_start3A_56 = tpu.memref_slice %arg8[%add3A_54, %dma_start3A_55] : memref<1280x16xi32, #tpu.memory_space<vmem>> -> memref<128x16xi32, #tpu.memory_space<vmem>>
    %dma_start3A_57 = tpu.memref_slice %arg7[%add3A_52] : memref<1280xi32, #tpu.memory_space<vmem>> -> memref<128xi32, #tpu.memory_space<vmem>>
    %dma_start3A_58 = arith.constant 0 : i32
    %dma_start3A_59 = arith.constant 0 : i32
    %dma_start3A_60 = tpu.memref_slice %arg4[%dma_start3A_58, %dma_start3A_59] : memref<100000x16xi32, #tpu.memory_space<hbm>> -> memref<100000x16xi32, #tpu.memory_space<hbm>>
    tpu.enqueue_indirect_dma source(%dma_start3A_60 : memref<100000x16xi32, #tpu.memory_space<hbm>>) target(%dma_start3A_56 : memref<128x16xi32, #tpu.memory_space<vmem>>) offsets(%dma_start3A_57 : memref<128xi32, #tpu.memory_space<vmem>>) semaphore(%arg11 : memref<!tpu.dma_semaphore, #tpu.memory_space<semaphore_mem>>)
    %add3A_61 = arith.constant 256 : i32
    %add3A_62 = arith.addi %mul3A_40, %add3A_61 : i32
    %add3A_63 = arith.constant 256 : i32
    %add3A_64 = arith.addi %mul3A_40, %add3A_63 : i32
    %dma_start3A_65 = arith.constant 0 : i32
    %dma_start3A_66 = tpu.memref_slice %arg8[%add3A_64, %dma_start3A_65] : memref<1280x16xi32, #tpu.memory_space<vmem>> -> memref<128x16xi32, #tpu.memory_space<vmem>>
    %dma_start3A_67 = tpu.memref_slice %arg7[%add3A_62] : memref<1280xi32, #tpu.memory_space<vmem>> -> memref<128xi32, #tpu.memory_space<vmem>>
    %dma_start3A_68 = arith.constant 0 : i32
    %dma_start3A_69 = arith.constant 0 : i32
    %dma_start3A_70 = tpu.memref_slice %arg4[%dma_start3A_68, %dma_start3A_69] : memref<100000x16xi32, #tpu.memory_space<hbm>> -> memref<100000x16xi32, #tpu.memory_space<hbm>>
    tpu.enqueue_indirect_dma source(%dma_start3A_70 : memref<100000x16xi32, #tpu.memory_space<hbm>>) target(%dma_start3A_66 : memref<128x16xi32, #tpu.memory_space<vmem>>) offsets(%dma_start3A_67 : memref<128xi32, #tpu.memory_space<vmem>>) semaphore(%arg11 : memref<!tpu.dma_semaphore, #tpu.memory_space<semaphore_mem>>)
    %add3A_71 = arith.constant 384 : i32
    %add3A_72 = arith.addi %mul3A_40, %add3A_71 : i32
    %add3A_73 = arith.constant 384 : i32
    %add3A_74 = arith.addi %mul3A_40, %add3A_73 : i32
    %dma_start3A_75 = arith.constant 0 : i32
    %dma_start3A_76 = tpu.memref_slice %arg8[%add3A_74, %dma_start3A_75] : memref<1280x16xi32, #tpu.memory_space<vmem>> -> memref<128x16xi32, #tpu.memory_space<vmem>>
    %dma_start3A_77 = tpu.memref_slice %arg7[%add3A_72] : memref<1280xi32, #tpu.memory_space<vmem>> -> memref<128xi32, #tpu.memory_space<vmem>>
    %dma_start3A_78 = arith.constant 0 : i32
    %dma_start3A_79 = arith.constant 0 : i32
    %dma_start3A_80 = tpu.memref_slice %arg4[%dma_start3A_78, %dma_start3A_79] : memref<100000x16xi32, #tpu.memory_space<hbm>> -> memref<100000x16xi32, #tpu.memory_space<hbm>>
    tpu.enqueue_indirect_dma source(%dma_start3A_80 : memref<100000x16xi32, #tpu.memory_space<hbm>>) target(%dma_start3A_76 : memref<128x16xi32, #tpu.memory_space<vmem>>) offsets(%dma_start3A_77 : memref<128xi32, #tpu.memory_space<vmem>>) semaphore(%arg11 : memref<!tpu.dma_semaphore, #tpu.memory_space<semaphore_mem>>)
    %add3A_81 = arith.constant 512 : i32
    %add3A_82 = arith.addi %mul3A_40, %add3A_81 : i32
    %add3A_83 = arith.constant 512 : i32
    %add3A_84 = arith.addi %mul3A_40, %add3A_83 : i32
    %dma_start3A_85 = arith.constant 0 : i32
    %dma_start3A_86 = tpu.memref_slice %arg8[%add3A_84, %dma_start3A_85] : memref<1280x16xi32, #tpu.memory_space<vmem>> -> memref<128x16xi32, #tpu.memory_space<vmem>>
    %dma_start3A_87 = tpu.memref_slice %arg7[%add3A_82] : memref<1280xi32, #tpu.memory_space<vmem>> -> memref<128xi32, #tpu.memory_space<vmem>>
    %dma_start3A_88 = arith.constant 0 : i32
    %dma_start3A_89 = arith.constant 0 : i32
    %dma_start3A_90 = tpu.memref_slice %arg4[%dma_start3A_88, %dma_start3A_89] : memref<100000x16xi32, #tpu.memory_space<hbm>> -> memref<100000x16xi32, #tpu.memory_space<hbm>>
    tpu.enqueue_indirect_dma source(%dma_start3A_90 : memref<100000x16xi32, #tpu.memory_space<hbm>>) target(%dma_start3A_86 : memref<128x16xi32, #tpu.memory_space<vmem>>) offsets(%dma_start3A_87 : memref<128xi32, #tpu.memory_space<vmem>>) semaphore(%arg11 : memref<!tpu.dma_semaphore, #tpu.memory_space<semaphore_mem>>)
    %scan3A = arith.constant 0 : i32
    %scan3A_91 = arith.constant 0 : i32
    %scan3A_92 = arith.constant 51 : i32
    %scan3A_93 = arith.addi %scan3A_91, %scan3A_92 : i32
    %scan3A_94 = arith.constant 1 : i32
    %scan3A_95 = scf.for %scan3A_181 = %scan3A_91 to %scan3A_93 step %scan3A_94 iter_args(%scan3A_182 = %scan3A) -> (i32)  : i32 {
      %dma_wait3A_183 = arith.constant 0 : i32
      %dma_wait3A_184 = tpu.memref_slice %arg7[%dma_wait3A_183] : memref<1280xi32, #tpu.memory_space<vmem>> -> memref<640xi32, #tpu.memory_space<vmem>>
      %dma_wait3A_185 = arith.constant 0 : i32
      %dma_wait3A_186 = tpu.memref_slice %arg3[%dma_wait3A_185] : memref<20480xi32, #tpu.memory_space<hbm>> -> memref<640xi32, #tpu.memory_space<hbm>>
      %dma_wait3A_187 = arith.constant 0 : i32
      %dma_wait3A_188 = tpu.memref_slice %arg7[%dma_wait3A_187] : memref<1280xi32, #tpu.memory_space<vmem>> -> memref<640xi32, #tpu.memory_space<vmem>>
      %dma_wait3A_189 = arith.constant 0 : i32
      %dma_wait3A_190 = tpu.memref_slice %arg3[%dma_wait3A_189] : memref<20480xi32, #tpu.memory_space<hbm>> -> memref<640xi32, #tpu.memory_space<hbm>>
      tpu.wait_dma2 semaphore(%arg10 : memref<!tpu.dma_semaphore, #tpu.memory_space<semaphore_mem>>) src(%dma_wait3A_190 : memref<640xi32, #tpu.memory_space<hbm>>) dst(%dma_wait3A_188 : memref<640xi32, #tpu.memory_space<vmem>>)
      %add3A_191 = arith.constant 1 : i32
      %add3A_192 = arith.addi %scan3A_181, %add3A_191 : i32
      %min3A = arith.constant 50 : i32
      %min3A_193 = arith.minsi %add3A_192, %min3A : i32
      %rem3A_194 = arith.constant 2 : i32
      %rem3A_195 = arith.remsi %min3A_193, %rem3A_194 : i32
      %mul3A_196 = arith.constant 640 : i32
      %mul3A_197 = arith.muli %rem3A_195, %mul3A_196 : i32
      %add3A_198 = arith.constant 0 : i32
      %add3A_199 = arith.addi %mul3A_197, %add3A_198 : i32
      %add3A_200 = arith.constant 0 : i32
      %add3A_201 = arith.addi %mul3A_197, %add3A_200 : i32
      %dma_start3A_202 = arith.constant 0 : i32
      %dma_start3A_203 = tpu.memref_slice %arg8[%add3A_201, %dma_start3A_202] : memref<1280x16xi32, #tpu.memory_space<vmem>> -> memref<128x16xi32, #tpu.memory_space<vmem>>
      %dma_start3A_204 = tpu.memref_slice %arg7[%add3A_199] : memref<1280xi32, #tpu.memory_space<vmem>> -> memref<128xi32, #tpu.memory_space<vmem>>
      %dma_start3A_205 = arith.constant 0 : i32
      %dma_start3A_206 = arith.constant 0 : i32
      %dma_start3A_207 = tpu.memref_slice %arg4[%dma_start3A_205, %dma_start3A_206] : memref<100000x16xi32, #tpu.memory_space<hbm>> -> memref<100000x16xi32, #tpu.memory_space<hbm>>
      tpu.enqueue_indirect_dma source(%dma_start3A_207 : memref<100000x16xi32, #tpu.memory_space<hbm>>) target(%dma_start3A_203 : memref<128x16xi32, #tpu.memory_space<vmem>>) offsets(%dma_start3A_204 : memref<128xi32, #tpu.memory_space<vmem>>) semaphore(%arg11 : memref<!tpu.dma_semaphore, #tpu.memory_space<semaphore_mem>>)
      %add3A_208 = arith.constant 128 : i32
      %add3A_209 = arith.addi %mul3A_197, %add3A_208 : i32
      %add3A_210 = arith.constant 128 : i32
      %add3A_211 = arith.addi %mul3A_197, %add3A_210 : i32
      %dma_start3A_212 = arith.constant 0 : i32
      %dma_start3A_213 = tpu.memref_slice %arg8[%add3A_211, %dma_start3A_212] : memref<1280x16xi32, #tpu.memory_space<vmem>> -> memref<128x16xi32, #tpu.memory_space<vmem>>
      %dma_start3A_214 = tpu.memref_slice %arg7[%add3A_209] : memref<1280xi32, #tpu.memory_space<vmem>> -> memref<128xi32, #tpu.memory_space<vmem>>
      %dma_start3A_215 = arith.constant 0 : i32
      %dma_start3A_216 = arith.constant 0 : i32
      %dma_start3A_217 = tpu.memref_slice %arg4[%dma_start3A_215, %dma_start3A_216] : memref<100000x16xi32, #tpu.memory_space<hbm>> -> memref<100000x16xi32, #tpu.memory_space<hbm>>
      tpu.enqueue_indirect_dma source(%dma_start3A_217 : memref<100000x16xi32, #tpu.memory_space<hbm>>) target(%dma_start3A_213 : memref<128x16xi32, #tpu.memory_space<vmem>>) offsets(%dma_start3A_214 : memref<128xi32, #tpu.memory_space<vmem>>) semaphore(%arg11 : memref<!tpu.dma_semaphore, #tpu.memory_space<semaphore_mem>>)
      %add3A_218 = arith.constant 256 : i32
      %add3A_219 = arith.addi %mul3A_197, %add3A_218 : i32
      %add3A_220 = arith.constant 256 : i32
      %add3A_221 = arith.addi %mul3A_197, %add3A_220 : i32
      %dma_start3A_222 = arith.constant 0 : i32
      %dma_start3A_223 = tpu.memref_slice %arg8[%add3A_221, %dma_start3A_222] : memref<1280x16xi32, #tpu.memory_space<vmem>> -> memref<128x16xi32, #tpu.memory_space<vmem>>
      %dma_start3A_224 = tpu.memref_slice %arg7[%add3A_219] : memref<1280xi32, #tpu.memory_space<vmem>> -> memref<128xi32, #tpu.memory_space<vmem>>
      %dma_start3A_225 = arith.constant 0 : i32
      %dma_start3A_226 = arith.constant 0 : i32
      %dma_start3A_227 = tpu.memref_slice %arg4[%dma_start3A_225, %dma_start3A_226] : memref<100000x16xi32, #tpu.memory_space<hbm>> -> memref<100000x16xi32, #tpu.memory_space<hbm>>
      tpu.enqueue_indirect_dma source(%dma_start3A_227 : memref<100000x16xi32, #tpu.memory_space<hbm>>) target(%dma_start3A_223 : memref<128x16xi32, #tpu.memory_space<vmem>>) offsets(%dma_start3A_224 : memref<128xi32, #tpu.memory_space<vmem>>) semaphore(%arg11 : memref<!tpu.dma_semaphore, #tpu.memory_space<semaphore_mem>>)
      %add3A_228 = arith.constant 384 : i32
      %add3A_229 = arith.addi %mul3A_197, %add3A_228 : i32
      %add3A_230 = arith.constant 384 : i32
      %add3A_231 = arith.addi %mul3A_197, %add3A_230 : i32
      %dma_start3A_232 = arith.constant 0 : i32
      %dma_start3A_233 = tpu.memref_slice %arg8[%add3A_231, %dma_start3A_232] : memref<1280x16xi32, #tpu.memory_space<vmem>> -> memref<128x16xi32, #tpu.memory_space<vmem>>
      %dma_start3A_234 = tpu.memref_slice %arg7[%add3A_229] : memref<1280xi32, #tpu.memory_space<vmem>> -> memref<128xi32, #tpu.memory_space<vmem>>
      %dma_start3A_235 = arith.constant 0 : i32
      %dma_start3A_236 = arith.constant 0 : i32
      %dma_start3A_237 = tpu.memref_slice %arg4[%dma_start3A_235, %dma_start3A_236] : memref<100000x16xi32, #tpu.memory_space<hbm>> -> memref<100000x16xi32, #tpu.memory_space<hbm>>
      tpu.enqueue_indirect_dma source(%dma_start3A_237 : memref<100000x16xi32, #tpu.memory_space<hbm>>) target(%dma_start3A_233 : memref<128x16xi32, #tpu.memory_space<vmem>>) offsets(%dma_start3A_234 : memref<128xi32, #tpu.memory_space<vmem>>) semaphore(%arg11 : memref<!tpu.dma_semaphore, #tpu.memory_space<semaphore_mem>>)
      %add3A_238 = arith.constant 512 : i32
      %add3A_239 = arith.addi %mul3A_197, %add3A_238 : i32
      %add3A_240 = arith.constant 512 : i32
      %add3A_241 = arith.addi %mul3A_197, %add3A_240 : i32
      %dma_start3A_242 = arith.constant 0 : i32
      %dma_start3A_243 = tpu.memref_slice %arg8[%add3A_241, %dma_start3A_242] : memref<1280x16xi32, #tpu.memory_space<vmem>> -> memref<128x16xi32, #tpu.memory_space<vmem>>
      %dma_start3A_244 = tpu.memref_slice %arg7[%add3A_239] : memref<1280xi32, #tpu.memory_space<vmem>> -> memref<128xi32, #tpu.memory_space<vmem>>
      %dma_start3A_245 = arith.constant 0 : i32
      %dma_start3A_246 = arith.constant 0 : i32
      %dma_start3A_247 = tpu.memref_slice %arg4[%dma_start3A_245, %dma_start3A_246] : memref<100000x16xi32, #tpu.memory_space<hbm>> -> memref<100000x16xi32, #tpu.memory_space<hbm>>
      tpu.enqueue_indirect_dma source(%dma_start3A_247 : memref<100000x16xi32, #tpu.memory_space<hbm>>) target(%dma_start3A_243 : memref<128x16xi32, #tpu.memory_space<vmem>>) offsets(%dma_start3A_244 : memref<128xi32, #tpu.memory_space<vmem>>) semaphore(%arg11 : memref<!tpu.dma_semaphore, #tpu.memory_space<semaphore_mem>>)
      %dma_wait3A_248 = arith.constant 0 : i32
      %dma_wait3A_249 = arith.constant 0 : i32
      %dma_wait3A_250 = tpu.memref_slice %arg8[%dma_wait3A_248, %dma_wait3A_249] : memref<1280x16xi32, #tpu.memory_space<vmem>> -> memref<128x16xi32, #tpu.memory_space<vmem>>
      %dma_wait3A_251 = arith.constant 0 : i32
      %dma_wait3A_252 = arith.constant 0 : i32
      %dma_wait3A_253 = tpu.memref_slice %arg4[%dma_wait3A_251, %dma_wait3A_252] : memref<100000x16xi32, #tpu.memory_space<hbm>> -> memref<128x16xi32, #tpu.memory_space<hbm>>
      %dma_wait3A_254 = arith.constant 0 : i32
      %dma_wait3A_255 = arith.constant 0 : i32
      %dma_wait3A_256 = tpu.memref_slice %arg8[%dma_wait3A_254, %dma_wait3A_255] : memref<1280x16xi32, #tpu.memory_space<vmem>> -> memref<128x16xi32, #tpu.memory_space<vmem>>
      %dma_wait3A_257 = arith.constant 0 : i32
      %dma_wait3A_258 = arith.constant 0 : i32
      %dma_wait3A_259 = tpu.memref_slice %arg4[%dma_wait3A_257, %dma_wait3A_258] : memref<100000x16xi32, #tpu.memory_space<hbm>> -> memref<128x16xi32, #tpu.memory_space<hbm>>
      tpu.wait_dma2 semaphore(%arg11 : memref<!tpu.dma_semaphore, #tpu.memory_space<semaphore_mem>>) src(%dma_wait3A_259 : memref<128x16xi32, #tpu.memory_space<hbm>>) dst(%dma_wait3A_256 : memref<128x16xi32, #tpu.memory_space<vmem>>)
      %dma_wait3A_260 = arith.constant 128 : i32
      %dma_wait3A_261 = arith.constant 0 : i32
      %dma_wait3A_262 = tpu.memref_slice %arg8[%dma_wait3A_260, %dma_wait3A_261] : memref<1280x16xi32, #tpu.memory_space<vmem>> -> memref<128x16xi32, #tpu.memory_space<vmem>>
      %dma_wait3A_263 = arith.constant 0 : i32
      %dma_wait3A_264 = arith.constant 0 : i32
      %dma_wait3A_265 = tpu.memref_slice %arg4[%dma_wait3A_263, %dma_wait3A_264] : memref<100000x16xi32, #tpu.memory_space<hbm>> -> memref<128x16xi32, #tpu.memory_space<hbm>>
      %dma_wait3A_266 = arith.constant 128 : i32
      %dma_wait3A_267 = arith.constant 0 : i32
      %dma_wait3A_268 = tpu.memref_slice %arg8[%dma_wait3A_266, %dma_wait3A_267] : memref<1280x16xi32, #tpu.memory_space<vmem>> -> memref<128x16xi32, #tpu.memory_space<vmem>>
      %dma_wait3A_269 = arith.constant 0 : i32
      %dma_wait3A_270 = arith.constant 0 : i32
      %dma_wait3A_271 = tpu.memref_slice %arg4[%dma_wait3A_269, %dma_wait3A_270] : memref<100000x16xi32, #tpu.memory_space<hbm>> -> memref<128x16xi32, #tpu.memory_space<hbm>>
      tpu.wait_dma2 semaphore(%arg11 : memref<!tpu.dma_semaphore, #tpu.memory_space<semaphore_mem>>) src(%dma_wait3A_271 : memref<128x16xi32, #tpu.memory_space<hbm>>) dst(%dma_wait3A_268 : memref<128x16xi32, #tpu.memory_space<vmem>>)
      %dma_wait3A_272 = arith.constant 256 : i32
      %dma_wait3A_273 = arith.constant 0 : i32
      %dma_wait3A_274 = tpu.memref_slice %arg8[%dma_wait3A_272, %dma_wait3A_273] : memref<1280x16xi32, #tpu.memory_space<vmem>> -> memref<128x16xi32, #tpu.memory_space<vmem>>
      %dma_wait3A_275 = arith.constant 0 : i32
      %dma_wait3A_276 = arith.constant 0 : i32
      %dma_wait3A_277 = tpu.memref_slice %arg4[%dma_wait3A_275, %dma_wait3A_276] : memref<100000x16xi32, #tpu.memory_space<hbm>> -> memref<128x16xi32, #tpu.memory_space<hbm>>
      %dma_wait3A_278 = arith.constant 256 : i32
      %dma_wait3A_279 = arith.constant 0 : i32
      %dma_wait3A_280 = tpu.memref_slice %arg8[%dma_wait3A_278, %dma_wait3A_279] : memref<1280x16xi32, #tpu.memory_space<vmem>> -> memref<128x16xi32, #tpu.memory_space<vmem>>
      %dma_wait3A_281 = arith.constant 0 : i32
      %dma_wait3A_282 = arith.constant 0 : i32
      %dma_wait3A_283 = tpu.memref_slice %arg4[%dma_wait3A_281, %dma_wait3A_282] : memref<100000x16xi32, #tpu.memory_space<hbm>> -> memref<128x16xi32, #tpu.memory_space<hbm>>
      tpu.wait_dma2 semaphore(%arg11 : memref<!tpu.dma_semaphore, #tpu.memory_space<semaphore_mem>>) src(%dma_wait3A_283 : memref<128x16xi32, #tpu.memory_space<hbm>>) dst(%dma_wait3A_280 : memref<128x16xi32, #tpu.memory_space<vmem>>)
      %dma_wait3A_284 = arith.constant 384 : i32
      %dma_wait3A_285 = arith.constant 0 : i32
      %dma_wait3A_286 = tpu.memref_slice %arg8[%dma_wait3A_284, %dma_wait3A_285] : memref<1280x16xi32, #tpu.memory_space<vmem>> -> memref<128x16xi32, #tpu.memory_space<vmem>>
      %dma_wait3A_287 = arith.constant 0 : i32
      %dma_wait3A_288 = arith.constant 0 : i32
      %dma_wait3A_289 = tpu.memref_slice %arg4[%dma_wait3A_287, %dma_wait3A_288] : memref<100000x16xi32, #tpu.memory_space<hbm>> -> memref<128x16xi32, #tpu.memory_space<hbm>>
      %dma_wait3A_290 = arith.constant 384 : i32
      %dma_wait3A_291 = arith.constant 0 : i32
      %dma_wait3A_292 = tpu.memref_slice %arg8[%dma_wait3A_290, %dma_wait3A_291] : memref<1280x16xi32, #tpu.memory_space<vmem>> -> memref<128x16xi32, #tpu.memory_space<vmem>>
      %dma_wait3A_293 = arith.constant 0 : i32
      %dma_wait3A_294 = arith.constant 0 : i32
      %dma_wait3A_295 = tpu.memref_slice %arg4[%dma_wait3A_293, %dma_wait3A_294] : memref<100000x16xi32, #tpu.memory_space<hbm>> -> memref<128x16xi32, #tpu.memory_space<hbm>>
      tpu.wait_dma2 semaphore(%arg11 : memref<!tpu.dma_semaphore, #tpu.memory_space<semaphore_mem>>) src(%dma_wait3A_295 : memref<128x16xi32, #tpu.memory_space<hbm>>) dst(%dma_wait3A_292 : memref<128x16xi32, #tpu.memory_space<vmem>>)
      %dma_wait3A_296 = arith.constant 512 : i32
      %dma_wait3A_297 = arith.constant 0 : i32
      %dma_wait3A_298 = tpu.memref_slice %arg8[%dma_wait3A_296, %dma_wait3A_297] : memref<1280x16xi32, #tpu.memory_space<vmem>> -> memref<128x16xi32, #tpu.memory_space<vmem>>
      %dma_wait3A_299 = arith.constant 0 : i32
      %dma_wait3A_300 = arith.constant 0 : i32
      %dma_wait3A_301 = tpu.memref_slice %arg4[%dma_wait3A_299, %dma_wait3A_300] : memref<100000x16xi32, #tpu.memory_space<hbm>> -> memref<128x16xi32, #tpu.memory_space<hbm>>
      %dma_wait3A_302 = arith.constant 512 : i32
      %dma_wait3A_303 = arith.constant 0 : i32
      %dma_wait3A_304 = tpu.memref_slice %arg8[%dma_wait3A_302, %dma_wait3A_303] : memref<1280x16xi32, #tpu.memory_space<vmem>> -> memref<128x16xi32, #tpu.memory_space<vmem>>
      %dma_wait3A_305 = arith.constant 0 : i32
      %dma_wait3A_306 = arith.constant 0 : i32
      %dma_wait3A_307 = tpu.memref_slice %arg4[%dma_wait3A_305, %dma_wait3A_306] : memref<100000x16xi32, #tpu.memory_space<hbm>> -> memref<128x16xi32, #tpu.memory_space<hbm>>
      tpu.wait_dma2 semaphore(%arg11 : memref<!tpu.dma_semaphore, #tpu.memory_space<semaphore_mem>>) src(%dma_wait3A_307 : memref<128x16xi32, #tpu.memory_space<hbm>>) dst(%dma_wait3A_304 : memref<128x16xi32, #tpu.memory_space<vmem>>)
      %add3A_308 = arith.constant 2 : i32
      %add3A_309 = arith.addi %scan3A_181, %add3A_308 : i32
      %min3A_310 = arith.constant 50 : i32
      %min3A_311 = arith.minsi %add3A_309, %min3A_310 : i32
      %rem3A_312 = arith.constant 2 : i32
      %rem3A_313 = arith.remsi %min3A_311, %rem3A_312 : i32
      %mul3A_314 = arith.constant 640 : i32
      %mul3A_315 = arith.muli %rem3A_313, %mul3A_314 : i32
      %lt3A = arith.constant 50 : i32
      %lt3A_316 = arith.cmpi slt, %min3A_311, %lt3A : i32
      %convert_element_type3A = arith.extui %lt3A_316 : i1 to i32
      %cond3A = arith.constant 0 : i32
      %cond3A_317 = arith.cmpi ne, %convert_element_type3A, %cond3A : i32
      scf.if %cond3A_317 {
        %mul3A_337 = arith.constant 640 : i32
        %mul3A_338 = arith.muli %min3A_311, %mul3A_337 : i32
        %add3A_339 = arith.addi %mul3A_4, %mul3A_338 : i32
        %dma_start3A_340 = tpu.memref_slice %arg7[%mul3A_315] : memref<1280xi32, #tpu.memory_space<vmem>> -> memref<640xi32, #tpu.memory_space<vmem>>
        %dma_start3A_341 = tpu.memref_slice %arg2[%add3A_339] : memref<1024000xi32, #tpu.memory_space<hbm>> -> memref<640xi32, #tpu.memory_space<hbm>>
        %dma_start3A_342 = tpu.memref_slice %arg7[%mul3A_315] : memref<1280xi32, #tpu.memory_space<vmem>> -> memref<640xi32, #tpu.memory_space<vmem>>
        %dma_start3A_343 = tpu.memref_slice %arg2[%add3A_339] : memref<1024000xi32, #tpu.memory_space<hbm>> -> memref<640xi32, #tpu.memory_space<hbm>>
        tpu.enqueue_dma source(%dma_start3A_343 : memref<640xi32, #tpu.memory_space<hbm>>) target(%dma_start3A_342 : memref<640xi32, #tpu.memory_space<vmem>>) target_semaphore(%arg10 : memref<!tpu.dma_semaphore, #tpu.memory_space<semaphore_mem>>)
      } else {
      }
      %ge3A = arith.constant 50 : i32
      %ge3A_318 = arith.cmpi sge, %min3A_311, %ge3A : i32
      %convert_element_type3A_319 = arith.extui %ge3A_318 : i1 to i32
      %cond3A_320 = arith.constant 0 : i32
      %cond3A_321 = arith.cmpi ne, %convert_element_type3A_319, %cond3A_320 : i32
      scf.if %cond3A_321 {
        %dma_start3A_337 = tpu.memref_slice %arg7[%mul3A_315] : memref<1280xi32, #tpu.memory_space<vmem>> -> memref<640xi32, #tpu.memory_space<vmem>>
        %dma_start3A_338 = tpu.memref_slice %arg3[%mul3A_8] : memref<20480xi32, #tpu.memory_space<hbm>> -> memref<640xi32, #tpu.memory_space<hbm>>
        %dma_start3A_339 = tpu.memref_slice %arg7[%mul3A_315] : memref<1280xi32, #tpu.memory_space<vmem>> -> memref<640xi32, #tpu.memory_space<vmem>>
        %dma_start3A_340 = tpu.memref_slice %arg3[%mul3A_8] : memref<20480xi32, #tpu.memory_space<hbm>> -> memref<640xi32, #tpu.memory_space<hbm>>
        tpu.enqueue_dma source(%dma_start3A_340 : memref<640xi32, #tpu.memory_space<hbm>>) target(%dma_start3A_339 : memref<640xi32, #tpu.memory_space<vmem>>) target_semaphore(%arg10 : memref<!tpu.dma_semaphore, #tpu.memory_space<semaphore_mem>>)
      } else {
      }
      %rem3A_322 = arith.constant 2 : i32
      %rem3A_323 = arith.remsi %scan3A_181, %rem3A_322 : i32
      %mul3A_324 = arith.constant 640 : i32
      %mul3A_325 = arith.muli %rem3A_323, %mul3A_324 : i32
      %broadcast_in_dim3A = arith.constant -65536 : i32
      %broadcast_in_dim3A_326 = vector.broadcast %broadcast_in_dim3A : i32 to vector<16xi32>
      %broadcast_in_dim3A_327 = arith.constant 16 : i32
      %broadcast_in_dim3A_328 = vector.broadcast %broadcast_in_dim3A_327 : i32 to vector<16xi32>
      %scan3A_329 = arith.constant 0 : i32
      %scan3A_330 = arith.constant 0 : i32
      %scan3A_331 = arith.constant 32 : i32
      %scan3A_332 = arith.addi %scan3A_330, %scan3A_331 : i32
      %scan3A_333 = arith.constant 1 : i32
      %scan3A_334 = scf.for %scan3A_337 = %scan3A_330 to %scan3A_332 step %scan3A_333 iter_args(%scan3A_338 = %scan3A_329) -> (i32)  : i32 {
        %mul3A_339 = arith.constant 20 : i32
        %mul3A_340 = arith.muli %scan3A_337, %mul3A_339 : i32
        %add3A_341 = arith.addi %mul3A_325, %mul3A_340 : i32
        %get3A = arith.index_cast %add3A_341 : i32 to index
        %get3A_342 = arith.constant 0 : index
        %get3A_343 = tpu.vector_load %arg8[%get3A, %get3A_342] {strides = array<i32>} : memref<1280x16xi32, #tpu.memory_space<vmem>>, vector<1x16xi32>,
        %get3A_344 = vector.shape_cast %get3A_343 : vector<1x16xi32> to vector<16xi32>
        %shift_left3A = arith.shli %get3A_344, %broadcast_in_dim3A_328 : vector<16xi32>
        %bitcast_convert_type3A = tpu.bitcast %shift_left3A : vector<16xi32> -> vector<16xf32>
        %and3A = arith.andi %get3A_344, %broadcast_in_dim3A_326 : vector<16xi32>
        %bitcast_convert_type3A_345 = tpu.bitcast %and3A : vector<16xi32> -> vector<16xf32>
        %add3A_346 = arith.constant 1 : i32
        %add3A_347 = arith.addi %add3A_341, %add3A_346 : i32
        %get3A_348 = arith.index_cast %add3A_347 : i32 to index
        %get3A_349 = arith.constant 0 : index
        %get3A_350 = tpu.vector_load %arg8[%get3A_348, %get3A_349] {strides = array<i32>} : memref<1280x16xi32, #tpu.memory_space<vmem>>, vector<1x16xi32>,
        %get3A_351 = vector.shape_cast %get3A_350 : vector<1x16xi32> to vector<16xi32>
        %shift_left3A_352 = arith.shli %get3A_351, %broadcast_in_dim3A_328 : vector<16xi32>
        %bitcast_convert_type3A_353 = tpu.bitcast %shift_left3A_352 : vector<16xi32> -> vector<16xf32>
        %and3A_354 = arith.andi %get3A_351, %broadcast_in_dim3A_326 : vector<16xi32>
        %bitcast_convert_type3A_355 = tpu.bitcast %and3A_354 : vector<16xi32> -> vector<16xf32>
        %add3A_356 = arith.addf %bitcast_convert_type3A, %bitcast_convert_type3A_353 : vector<16xf32>
        %add3A_357 = arith.addf %bitcast_convert_type3A_345, %bitcast_convert_type3A_355 : vector<16xf32>
        %add3A_358 = arith.constant 2 : i32
        %add3A_359 = arith.addi %add3A_341, %add3A_358 : i32
        %get3A_360 = arith.index_cast %add3A_359 : i32 to index
        %get3A_361 = arith.constant 0 : index
        %get3A_362 = tpu.vector_load %arg8[%get3A_360, %get3A_361] {strides = array<i32>} : memref<1280x16xi32, #tpu.memory_space<vmem>>, vector<1x16xi32>,
        %get3A_363 = vector.shape_cast %get3A_362 : vector<1x16xi32> to vector<16xi32>
        %shift_left3A_364 = arith.shli %get3A_363, %broadcast_in_dim3A_328 : vector<16xi32>
        %bitcast_convert_type3A_365 = tpu.bitcast %shift_left3A_364 : vector<16xi32> -> vector<16xf32>
        %and3A_366 = arith.andi %get3A_363, %broadcast_in_dim3A_326 : vector<16xi32>
        %bitcast_convert_type3A_367 = tpu.bitcast %and3A_366 : vector<16xi32> -> vector<16xf32>
        %add3A_368 = arith.addf %add3A_356, %bitcast_convert_type3A_365 : vector<16xf32>
        %add3A_369 = arith.addf %add3A_357, %bitcast_convert_type3A_367 : vector<16xf32>
        %add3A_370 = arith.constant 3 : i32
        %add3A_371 = arith.addi %add3A_341, %add3A_370 : i32
        %get3A_372 = arith.index_cast %add3A_371 : i32 to index
        %get3A_373 = arith.constant 0 : index
        %get3A_374 = tpu.vector_load %arg8[%get3A_372, %get3A_373] {strides = array<i32>} : memref<1280x16xi32, #tpu.memory_space<vmem>>, vector<1x16xi32>,
        %get3A_375 = vector.shape_cast %get3A_374 : vector<1x16xi32> to vector<16xi32>
        %shift_left3A_376 = arith.shli %get3A_375, %broadcast_in_dim3A_328 : vector<16xi32>
        %bitcast_convert_type3A_377 = tpu.bitcast %shift_left3A_376 : vector<16xi32> -> vector<16xf32>
        %and3A_378 = arith.andi %get3A_375, %broadcast_in_dim3A_326 : vector<16xi32>
        %bitcast_convert_type3A_379 = tpu.bitcast %and3A_378 : vector<16xi32> -> vector<16xf32>
        %add3A_380 = arith.addf %add3A_368, %bitcast_convert_type3A_377 : vector<16xf32>
        %add3A_381 = arith.addf %add3A_369, %bitcast_convert_type3A_379 : vector<16xf32>
        %add3A_382 = arith.constant 4 : i32
        %add3A_383 = arith.addi %add3A_341, %add3A_382 : i32
        %get3A_384 = arith.index_cast %add3A_383 : i32 to index
        %get3A_385 = arith.constant 0 : index
        %get3A_386 = tpu.vector_load %arg8[%get3A_384, %get3A_385] {strides = array<i32>} : memref<1280x16xi32, #tpu.memory_space<vmem>>, vector<1x16xi32>,
        %get3A_387 = vector.shape_cast %get3A_386 : vector<1x16xi32> to vector<16xi32>
        %shift_left3A_388 = arith.shli %get3A_387, %broadcast_in_dim3A_328 : vector<16xi32>
        %bitcast_convert_type3A_389 = tpu.bitcast %shift_left3A_388 : vector<16xi32> -> vector<16xf32>
        %and3A_390 = arith.andi %get3A_387, %broadcast_in_dim3A_326 : vector<16xi32>
        %bitcast_convert_type3A_391 = tpu.bitcast %and3A_390 : vector<16xi32> -> vector<16xf32>
        %add3A_392 = arith.addf %add3A_380, %bitcast_convert_type3A_389 : vector<16xf32>
        %add3A_393 = arith.addf %add3A_381, %bitcast_convert_type3A_391 : vector<16xf32>
        %add3A_394 = arith.constant 5 : i32
        %add3A_395 = arith.addi %add3A_341, %add3A_394 : i32
        %get3A_396 = arith.index_cast %add3A_395 : i32 to index
        %get3A_397 = arith.constant 0 : index
        %get3A_398 = tpu.vector_load %arg8[%get3A_396, %get3A_397] {strides = array<i32>} : memref<1280x16xi32, #tpu.memory_space<vmem>>, vector<1x16xi32>,
        %get3A_399 = vector.shape_cast %get3A_398 : vector<1x16xi32> to vector<16xi32>
        %shift_left3A_400 = arith.shli %get3A_399, %broadcast_in_dim3A_328 : vector<16xi32>
        %bitcast_convert_type3A_401 = tpu.bitcast %shift_left3A_400 : vector<16xi32> -> vector<16xf32>
        %and3A_402 = arith.andi %get3A_399, %broadcast_in_dim3A_326 : vector<16xi32>
        %bitcast_convert_type3A_403 = tpu.bitcast %and3A_402 : vector<16xi32> -> vector<16xf32>
        %add3A_404 = arith.addf %add3A_392, %bitcast_convert_type3A_401 : vector<16xf32>
        %add3A_405 = arith.addf %add3A_393, %bitcast_convert_type3A_403 : vector<16xf32>
        %add3A_406 = arith.constant 6 : i32
        %add3A_407 = arith.addi %add3A_341, %add3A_406 : i32
        %get3A_408 = arith.index_cast %add3A_407 : i32 to index
        %get3A_409 = arith.constant 0 : index
        %get3A_410 = tpu.vector_load %arg8[%get3A_408, %get3A_409] {strides = array<i32>} : memref<1280x16xi32, #tpu.memory_space<vmem>>, vector<1x16xi32>,
        %get3A_411 = vector.shape_cast %get3A_410 : vector<1x16xi32> to vector<16xi32>
        %shift_left3A_412 = arith.shli %get3A_411, %broadcast_in_dim3A_328 : vector<16xi32>
        %bitcast_convert_type3A_413 = tpu.bitcast %shift_left3A_412 : vector<16xi32> -> vector<16xf32>
        %and3A_414 = arith.andi %get3A_411, %broadcast_in_dim3A_326 : vector<16xi32>
        %bitcast_convert_type3A_415 = tpu.bitcast %and3A_414 : vector<16xi32> -> vector<16xf32>
        %add3A_416 = arith.addf %add3A_404, %bitcast_convert_type3A_413 : vector<16xf32>
        %add3A_417 = arith.addf %add3A_405, %bitcast_convert_type3A_415 : vector<16xf32>
        %add3A_418 = arith.constant 7 : i32
        %add3A_419 = arith.addi %add3A_341, %add3A_418 : i32
        %get3A_420 = arith.index_cast %add3A_419 : i32 to index
        %get3A_421 = arith.constant 0 : index
        %get3A_422 = tpu.vector_load %arg8[%get3A_420, %get3A_421] {strides = array<i32>} : memref<1280x16xi32, #tpu.memory_space<vmem>>, vector<1x16xi32>,
        %get3A_423 = vector.shape_cast %get3A_422 : vector<1x16xi32> to vector<16xi32>
        %shift_left3A_424 = arith.shli %get3A_423, %broadcast_in_dim3A_328 : vector<16xi32>
        %bitcast_convert_type3A_425 = tpu.bitcast %shift_left3A_424 : vector<16xi32> -> vector<16xf32>
        %and3A_426 = arith.andi %get3A_423, %broadcast_in_dim3A_326 : vector<16xi32>
        %bitcast_convert_type3A_427 = tpu.bitcast %and3A_426 : vector<16xi32> -> vector<16xf32>
        %add3A_428 = arith.addf %add3A_416, %bitcast_convert_type3A_425 : vector<16xf32>
        %add3A_429 = arith.addf %add3A_417, %bitcast_convert_type3A_427 : vector<16xf32>
        %add3A_430 = arith.constant 8 : i32
        %add3A_431 = arith.addi %add3A_341, %add3A_430 : i32
        %get3A_432 = arith.index_cast %add3A_431 : i32 to index
        %get3A_433 = arith.constant 0 : index
        %get3A_434 = tpu.vector_load %arg8[%get3A_432, %get3A_433] {strides = array<i32>} : memref<1280x16xi32, #tpu.memory_space<vmem>>, vector<1x16xi32>,
        %get3A_435 = vector.shape_cast %get3A_434 : vector<1x16xi32> to vector<16xi32>
        %shift_left3A_436 = arith.shli %get3A_435, %broadcast_in_dim3A_328 : vector<16xi32>
        %bitcast_convert_type3A_437 = tpu.bitcast %shift_left3A_436 : vector<16xi32> -> vector<16xf32>
        %and3A_438 = arith.andi %get3A_435, %broadcast_in_dim3A_326 : vector<16xi32>
        %bitcast_convert_type3A_439 = tpu.bitcast %and3A_438 : vector<16xi32> -> vector<16xf32>
        %add3A_440 = arith.addf %add3A_428, %bitcast_convert_type3A_437 : vector<16xf32>
        %add3A_441 = arith.addf %add3A_429, %bitcast_convert_type3A_439 : vector<16xf32>
        %add3A_442 = arith.constant 9 : i32
        %add3A_443 = arith.addi %add3A_341, %add3A_442 : i32
        %get3A_444 = arith.index_cast %add3A_443 : i32 to index
        %get3A_445 = arith.constant 0 : index
        %get3A_446 = tpu.vector_load %arg8[%get3A_444, %get3A_445] {strides = array<i32>} : memref<1280x16xi32, #tpu.memory_space<vmem>>, vector<1x16xi32>,
        %get3A_447 = vector.shape_cast %get3A_446 : vector<1x16xi32> to vector<16xi32>
        %shift_left3A_448 = arith.shli %get3A_447, %broadcast_in_dim3A_328 : vector<16xi32>
        %bitcast_convert_type3A_449 = tpu.bitcast %shift_left3A_448 : vector<16xi32> -> vector<16xf32>
        %and3A_450 = arith.andi %get3A_447, %broadcast_in_dim3A_326 : vector<16xi32>
        %bitcast_convert_type3A_451 = tpu.bitcast %and3A_450 : vector<16xi32> -> vector<16xf32>
        %add3A_452 = arith.addf %add3A_440, %bitcast_convert_type3A_449 : vector<16xf32>
        %add3A_453 = arith.addf %add3A_441, %bitcast_convert_type3A_451 : vector<16xf32>
        %add3A_454 = arith.constant 10 : i32
        %add3A_455 = arith.addi %add3A_341, %add3A_454 : i32
        %get3A_456 = arith.index_cast %add3A_455 : i32 to index
        %get3A_457 = arith.constant 0 : index
        %get3A_458 = tpu.vector_load %arg8[%get3A_456, %get3A_457] {strides = array<i32>} : memref<1280x16xi32, #tpu.memory_space<vmem>>, vector<1x16xi32>,
        %get3A_459 = vector.shape_cast %get3A_458 : vector<1x16xi32> to vector<16xi32>
        %shift_left3A_460 = arith.shli %get3A_459, %broadcast_in_dim3A_328 : vector<16xi32>
        %bitcast_convert_type3A_461 = tpu.bitcast %shift_left3A_460 : vector<16xi32> -> vector<16xf32>
        %and3A_462 = arith.andi %get3A_459, %broadcast_in_dim3A_326 : vector<16xi32>
        %bitcast_convert_type3A_463 = tpu.bitcast %and3A_462 : vector<16xi32> -> vector<16xf32>
        %add3A_464 = arith.addf %add3A_452, %bitcast_convert_type3A_461 : vector<16xf32>
        %add3A_465 = arith.addf %add3A_453, %bitcast_convert_type3A_463 : vector<16xf32>
        %add3A_466 = arith.constant 11 : i32
        %add3A_467 = arith.addi %add3A_341, %add3A_466 : i32
        %get3A_468 = arith.index_cast %add3A_467 : i32 to index
        %get3A_469 = arith.constant 0 : index
        %get3A_470 = tpu.vector_load %arg8[%get3A_468, %get3A_469] {strides = array<i32>} : memref<1280x16xi32, #tpu.memory_space<vmem>>, vector<1x16xi32>,
        %get3A_471 = vector.shape_cast %get3A_470 : vector<1x16xi32> to vector<16xi32>
        %shift_left3A_472 = arith.shli %get3A_471, %broadcast_in_dim3A_328 : vector<16xi32>
        %bitcast_convert_type3A_473 = tpu.bitcast %shift_left3A_472 : vector<16xi32> -> vector<16xf32>
        %and3A_474 = arith.andi %get3A_471, %broadcast_in_dim3A_326 : vector<16xi32>
        %bitcast_convert_type3A_475 = tpu.bitcast %and3A_474 : vector<16xi32> -> vector<16xf32>
        %add3A_476 = arith.addf %add3A_464, %bitcast_convert_type3A_473 : vector<16xf32>
        %add3A_477 = arith.addf %add3A_465, %bitcast_convert_type3A_475 : vector<16xf32>
        %add3A_478 = arith.constant 12 : i32
        %add3A_479 = arith.addi %add3A_341, %add3A_478 : i32
        %get3A_480 = arith.index_cast %add3A_479 : i32 to index
        %get3A_481 = arith.constant 0 : index
        %get3A_482 = tpu.vector_load %arg8[%get3A_480, %get3A_481] {strides = array<i32>} : memref<1280x16xi32, #tpu.memory_space<vmem>>, vector<1x16xi32>,
        %get3A_483 = vector.shape_cast %get3A_482 : vector<1x16xi32> to vector<16xi32>
        %shift_left3A_484 = arith.shli %get3A_483, %broadcast_in_dim3A_328 : vector<16xi32>
        %bitcast_convert_type3A_485 = tpu.bitcast %shift_left3A_484 : vector<16xi32> -> vector<16xf32>
        %and3A_486 = arith.andi %get3A_483, %broadcast_in_dim3A_326 : vector<16xi32>
        %bitcast_convert_type3A_487 = tpu.bitcast %and3A_486 : vector<16xi32> -> vector<16xf32>
        %add3A_488 = arith.addf %add3A_476, %bitcast_convert_type3A_485 : vector<16xf32>
        %add3A_489 = arith.addf %add3A_477, %bitcast_convert_type3A_487 : vector<16xf32>
        %add3A_490 = arith.constant 13 : i32
        %add3A_491 = arith.addi %add3A_341, %add3A_490 : i32
        %get3A_492 = arith.index_cast %add3A_491 : i32 to index
        %get3A_493 = arith.constant 0 : index
        %get3A_494 = tpu.vector_load %arg8[%get3A_492, %get3A_493] {strides = array<i32>} : memref<1280x16xi32, #tpu.memory_space<vmem>>, vector<1x16xi32>,
        %get3A_495 = vector.shape_cast %get3A_494 : vector<1x16xi32> to vector<16xi32>
        %shift_left3A_496 = arith.shli %get3A_495, %broadcast_in_dim3A_328 : vector<16xi32>
        %bitcast_convert_type3A_497 = tpu.bitcast %shift_left3A_496 : vector<16xi32> -> vector<16xf32>
        %and3A_498 = arith.andi %get3A_495, %broadcast_in_dim3A_326 : vector<16xi32>
        %bitcast_convert_type3A_499 = tpu.bitcast %and3A_498 : vector<16xi32> -> vector<16xf32>
        %add3A_500 = arith.addf %add3A_488, %bitcast_convert_type3A_497 : vector<16xf32>
        %add3A_501 = arith.addf %add3A_489, %bitcast_convert_type3A_499 : vector<16xf32>
        %add3A_502 = arith.constant 14 : i32
        %add3A_503 = arith.addi %add3A_341, %add3A_502 : i32
        %get3A_504 = arith.index_cast %add3A_503 : i32 to index
        %get3A_505 = arith.constant 0 : index
        %get3A_506 = tpu.vector_load %arg8[%get3A_504, %get3A_505] {strides = array<i32>} : memref<1280x16xi32, #tpu.memory_space<vmem>>, vector<1x16xi32>,
        %get3A_507 = vector.shape_cast %get3A_506 : vector<1x16xi32> to vector<16xi32>
        %shift_left3A_508 = arith.shli %get3A_507, %broadcast_in_dim3A_328 : vector<16xi32>
        %bitcast_convert_type3A_509 = tpu.bitcast %shift_left3A_508 : vector<16xi32> -> vector<16xf32>
        %and3A_510 = arith.andi %get3A_507, %broadcast_in_dim3A_326 : vector<16xi32>
        %bitcast_convert_type3A_511 = tpu.bitcast %and3A_510 : vector<16xi32> -> vector<16xf32>
        %add3A_512 = arith.addf %add3A_500, %bitcast_convert_type3A_509 : vector<16xf32>
        %add3A_513 = arith.addf %add3A_501, %bitcast_convert_type3A_511 : vector<16xf32>
        %add3A_514 = arith.constant 15 : i32
        %add3A_515 = arith.addi %add3A_341, %add3A_514 : i32
        %get3A_516 = arith.index_cast %add3A_515 : i32 to index
        %get3A_517 = arith.constant 0 : index
        %get3A_518 = tpu.vector_load %arg8[%get3A_516, %get3A_517] {strides = array<i32>} : memref<1280x16xi32, #tpu.memory_space<vmem>>, vector<1x16xi32>,
        %get3A_519 = vector.shape_cast %get3A_518 : vector<1x16xi32> to vector<16xi32>
        %shift_left3A_520 = arith.shli %get3A_519, %broadcast_in_dim3A_328 : vector<16xi32>
        %bitcast_convert_type3A_521 = tpu.bitcast %shift_left3A_520 : vector<16xi32> -> vector<16xf32>
        %and3A_522 = arith.andi %get3A_519, %broadcast_in_dim3A_326 : vector<16xi32>
        %bitcast_convert_type3A_523 = tpu.bitcast %and3A_522 : vector<16xi32> -> vector<16xf32>
        %add3A_524 = arith.addf %add3A_512, %bitcast_convert_type3A_521 : vector<16xf32>
        %add3A_525 = arith.addf %add3A_513, %bitcast_convert_type3A_523 : vector<16xf32>
        %add3A_526 = arith.constant 16 : i32
        %add3A_527 = arith.addi %add3A_341, %add3A_526 : i32
        %get3A_528 = arith.index_cast %add3A_527 : i32 to index
        %get3A_529 = arith.constant 0 : index
        %get3A_530 = tpu.vector_load %arg8[%get3A_528, %get3A_529] {strides = array<i32>} : memref<1280x16xi32, #tpu.memory_space<vmem>>, vector<1x16xi32>,
        %get3A_531 = vector.shape_cast %get3A_530 : vector<1x16xi32> to vector<16xi32>
        %shift_left3A_532 = arith.shli %get3A_531, %broadcast_in_dim3A_328 : vector<16xi32>
        %bitcast_convert_type3A_533 = tpu.bitcast %shift_left3A_532 : vector<16xi32> -> vector<16xf32>
        %and3A_534 = arith.andi %get3A_531, %broadcast_in_dim3A_326 : vector<16xi32>
        %bitcast_convert_type3A_535 = tpu.bitcast %and3A_534 : vector<16xi32> -> vector<16xf32>
        %add3A_536 = arith.addf %add3A_524, %bitcast_convert_type3A_533 : vector<16xf32>
        %add3A_537 = arith.addf %add3A_525, %bitcast_convert_type3A_535 : vector<16xf32>
        %add3A_538 = arith.constant 17 : i32
        %add3A_539 = arith.addi %add3A_341, %add3A_538 : i32
        %get3A_540 = arith.index_cast %add3A_539 : i32 to index
        %get3A_541 = arith.constant 0 : index
        %get3A_542 = tpu.vector_load %arg8[%get3A_540, %get3A_541] {strides = array<i32>} : memref<1280x16xi32, #tpu.memory_space<vmem>>, vector<1x16xi32>,
        %get3A_543 = vector.shape_cast %get3A_542 : vector<1x16xi32> to vector<16xi32>
        %shift_left3A_544 = arith.shli %get3A_543, %broadcast_in_dim3A_328 : vector<16xi32>
        %bitcast_convert_type3A_545 = tpu.bitcast %shift_left3A_544 : vector<16xi32> -> vector<16xf32>
        %and3A_546 = arith.andi %get3A_543, %broadcast_in_dim3A_326 : vector<16xi32>
        %bitcast_convert_type3A_547 = tpu.bitcast %and3A_546 : vector<16xi32> -> vector<16xf32>
        %add3A_548 = arith.addf %add3A_536, %bitcast_convert_type3A_545 : vector<16xf32>
        %add3A_549 = arith.addf %add3A_537, %bitcast_convert_type3A_547 : vector<16xf32>
        %add3A_550 = arith.constant 18 : i32
        %add3A_551 = arith.addi %add3A_341, %add3A_550 : i32
        %get3A_552 = arith.index_cast %add3A_551 : i32 to index
        %get3A_553 = arith.constant 0 : index
        %get3A_554 = tpu.vector_load %arg8[%get3A_552, %get3A_553] {strides = array<i32>} : memref<1280x16xi32, #tpu.memory_space<vmem>>, vector<1x16xi32>,
        %get3A_555 = vector.shape_cast %get3A_554 : vector<1x16xi32> to vector<16xi32>
        %shift_left3A_556 = arith.shli %get3A_555, %broadcast_in_dim3A_328 : vector<16xi32>
        %bitcast_convert_type3A_557 = tpu.bitcast %shift_left3A_556 : vector<16xi32> -> vector<16xf32>
        %and3A_558 = arith.andi %get3A_555, %broadcast_in_dim3A_326 : vector<16xi32>
        %bitcast_convert_type3A_559 = tpu.bitcast %and3A_558 : vector<16xi32> -> vector<16xf32>
        %add3A_560 = arith.addf %add3A_548, %bitcast_convert_type3A_557 : vector<16xf32>
        %add3A_561 = arith.addf %add3A_549, %bitcast_convert_type3A_559 : vector<16xf32>
        %add3A_562 = arith.constant 19 : i32
        %add3A_563 = arith.addi %add3A_341, %add3A_562 : i32
        %get3A_564 = arith.index_cast %add3A_563 : i32 to index
        %get3A_565 = arith.constant 0 : index
        %get3A_566 = tpu.vector_load %arg8[%get3A_564, %get3A_565] {strides = array<i32>} : memref<1280x16xi32, #tpu.memory_space<vmem>>, vector<1x16xi32>,
        %get3A_567 = vector.shape_cast %get3A_566 : vector<1x16xi32> to vector<16xi32>
        %shift_left3A_568 = arith.shli %get3A_567, %broadcast_in_dim3A_328 : vector<16xi32>
        %bitcast_convert_type3A_569 = tpu.bitcast %shift_left3A_568 : vector<16xi32> -> vector<16xf32>
        %and3A_570 = arith.andi %get3A_567, %broadcast_in_dim3A_326 : vector<16xi32>
        %bitcast_convert_type3A_571 = tpu.bitcast %and3A_570 : vector<16xi32> -> vector<16xf32>
        %add3A_572 = arith.addf %add3A_560, %bitcast_convert_type3A_569 : vector<16xf32>
        %add3A_573 = arith.addf %add3A_561, %bitcast_convert_type3A_571 : vector<16xf32>
        %mul3A_574 = arith.constant 32 : i32
        %mul3A_575 = arith.muli %scan3A_181, %mul3A_574 : i32
        %add3A_576 = arith.addi %mul3A_575, %scan3A_337 : i32
        %swap3A = arith.index_cast %add3A_576 : i32 to index
        %swap3A_577 = arith.constant 0 : index
        %swap3A_578 = tpu.vector_load %arg9[%swap3A, %swap3A_577] {strides = array<i32>} : memref<1632x32xf32, #tpu.memory_space<vmem>>, vector<1x16xf32>,
        %swap3A_579 = vector.shape_cast %swap3A_578 : vector<1x16xf32> to vector<16xf32>
        %swap3A_580 = vector.shape_cast %add3A_572 : vector<16xf32> to vector<1x16xf32>
        tpu.vector_store %arg9[%swap3A, %swap3A_577], %swap3A_580 {strides = array<i32>} : memref<1632x32xf32, #tpu.memory_space<vmem>>, vector<1x16xf32>,
        %mul3A_581 = arith.constant 32 : i32
        %mul3A_582 = arith.muli %scan3A_181, %mul3A_581 : i32
        %add3A_583 = arith.addi %mul3A_582, %scan3A_337 : i32
        %swap3A_584 = arith.index_cast %add3A_583 : i32 to index
        %swap3A_585 = arith.constant 16 : index
        %swap3A_586 = tpu.vector_load %arg9[%swap3A_584, %swap3A_585] {strides = array<i32>} : memref<1632x32xf32, #tpu.memory_space<vmem>>, vector<1x16xf32>,
        %swap3A_587 = vector.shape_cast %swap3A_586 : vector<1x16xf32> to vector<16xf32>
        %swap3A_588 = vector.shape_cast %add3A_573 : vector<16xf32> to vector<1x16xf32>
        tpu.vector_store %arg9[%swap3A_584, %swap3A_585], %swap3A_588 {strides = array<i32>} : memref<1632x32xf32, #tpu.memory_space<vmem>>, vector<1x16xf32>,
        %scan3A_589 = arith.constant 0 : i32
        scf.yield %scan3A_589 : i32
      }
      %scan3A_335 = arith.constant 32 : i32
      %scan3A_336 = arith.constant 0 : i32
      scf.yield %scan3A_336 : i32
    }
    %scan3A_96 = arith.constant 51 : i32
    %dma_wait3A_97 = arith.constant 0 : i32
    %dma_wait3A_98 = tpu.memref_slice %arg7[%dma_wait3A_97] : memref<1280xi32, #tpu.memory_space<vmem>> -> memref<640xi32, #tpu.memory_space<vmem>>
    %dma_wait3A_99 = arith.constant 0 : i32
    %dma_wait3A_100 = tpu.memref_slice %arg3[%dma_wait3A_99] : memref<20480xi32, #tpu.memory_space<hbm>> -> memref<640xi32, #tpu.memory_space<hbm>>
    %dma_wait3A_101 = arith.constant 0 : i32
    %dma_wait3A_102 = tpu.memref_slice %arg7[%dma_wait3A_101] : memref<1280xi32, #tpu.memory_space<vmem>> -> memref<640xi32, #tpu.memory_space<vmem>>
    %dma_wait3A_103 = arith.constant 0 : i32
    %dma_wait3A_104 = tpu.memref_slice %arg3[%dma_wait3A_103] : memref<20480xi32, #tpu.memory_space<hbm>> -> memref<640xi32, #tpu.memory_space<hbm>>
    tpu.wait_dma2 semaphore(%arg10 : memref<!tpu.dma_semaphore, #tpu.memory_space<semaphore_mem>>) src(%dma_wait3A_104 : memref<640xi32, #tpu.memory_space<hbm>>) dst(%dma_wait3A_102 : memref<640xi32, #tpu.memory_space<vmem>>)
    %dma_wait3A_105 = arith.constant 0 : i32
    %dma_wait3A_106 = arith.constant 0 : i32
    %dma_wait3A_107 = tpu.memref_slice %arg8[%dma_wait3A_105, %dma_wait3A_106] : memref<1280x16xi32, #tpu.memory_space<vmem>> -> memref<128x16xi32, #tpu.memory_space<vmem>>
    %dma_wait3A_108 = arith.constant 0 : i32
    %dma_wait3A_109 = arith.constant 0 : i32
    %dma_wait3A_110 = tpu.memref_slice %arg4[%dma_wait3A_108, %dma_wait3A_109] : memref<100000x16xi32, #tpu.memory_space<hbm>> -> memref<128x16xi32, #tpu.memory_space<hbm>>
    %dma_wait3A_111 = arith.constant 0 : i32
    %dma_wait3A_112 = arith.constant 0 : i32
    %dma_wait3A_113 = tpu.memref_slice %arg8[%dma_wait3A_111, %dma_wait3A_112] : memref<1280x16xi32, #tpu.memory_space<vmem>> -> memref<128x16xi32, #tpu.memory_space<vmem>>
    %dma_wait3A_114 = arith.constant 0 : i32
    %dma_wait3A_115 = arith.constant 0 : i32
    %dma_wait3A_116 = tpu.memref_slice %arg4[%dma_wait3A_114, %dma_wait3A_115] : memref<100000x16xi32, #tpu.memory_space<hbm>> -> memref<128x16xi32, #tpu.memory_space<hbm>>
    tpu.wait_dma2 semaphore(%arg11 : memref<!tpu.dma_semaphore, #tpu.memory_space<semaphore_mem>>) src(%dma_wait3A_116 : memref<128x16xi32, #tpu.memory_space<hbm>>) dst(%dma_wait3A_113 : memref<128x16xi32, #tpu.memory_space<vmem>>)
    %dma_wait3A_117 = arith.constant 128 : i32
    %dma_wait3A_118 = arith.constant 0 : i32
    %dma_wait3A_119 = tpu.memref_slice %arg8[%dma_wait3A_117, %dma_wait3A_118] : memref<1280x16xi32, #tpu.memory_space<vmem>> -> memref<128x16xi32, #tpu.memory_space<vmem>>
    %dma_wait3A_120 = arith.constant 0 : i32
    %dma_wait3A_121 = arith.constant 0 : i32
    %dma_wait3A_122 = tpu.memref_slice %arg4[%dma_wait3A_120, %dma_wait3A_121] : memref<100000x16xi32, #tpu.memory_space<hbm>> -> memref<128x16xi32, #tpu.memory_space<hbm>>
    %dma_wait3A_123 = arith.constant 128 : i32
    %dma_wait3A_124 = arith.constant 0 : i32
    %dma_wait3A_125 = tpu.memref_slice %arg8[%dma_wait3A_123, %dma_wait3A_124] : memref<1280x16xi32, #tpu.memory_space<vmem>> -> memref<128x16xi32, #tpu.memory_space<vmem>>
    %dma_wait3A_126 = arith.constant 0 : i32
    %dma_wait3A_127 = arith.constant 0 : i32
    %dma_wait3A_128 = tpu.memref_slice %arg4[%dma_wait3A_126, %dma_wait3A_127] : memref<100000x16xi32, #tpu.memory_space<hbm>> -> memref<128x16xi32, #tpu.memory_space<hbm>>
    tpu.wait_dma2 semaphore(%arg11 : memref<!tpu.dma_semaphore, #tpu.memory_space<semaphore_mem>>) src(%dma_wait3A_128 : memref<128x16xi32, #tpu.memory_space<hbm>>) dst(%dma_wait3A_125 : memref<128x16xi32, #tpu.memory_space<vmem>>)
    %dma_wait3A_129 = arith.constant 256 : i32
    %dma_wait3A_130 = arith.constant 0 : i32
    %dma_wait3A_131 = tpu.memref_slice %arg8[%dma_wait3A_129, %dma_wait3A_130] : memref<1280x16xi32, #tpu.memory_space<vmem>> -> memref<128x16xi32, #tpu.memory_space<vmem>>
    %dma_wait3A_132 = arith.constant 0 : i32
    %dma_wait3A_133 = arith.constant 0 : i32
    %dma_wait3A_134 = tpu.memref_slice %arg4[%dma_wait3A_132, %dma_wait3A_133] : memref<100000x16xi32, #tpu.memory_space<hbm>> -> memref<128x16xi32, #tpu.memory_space<hbm>>
    %dma_wait3A_135 = arith.constant 256 : i32
    %dma_wait3A_136 = arith.constant 0 : i32
    %dma_wait3A_137 = tpu.memref_slice %arg8[%dma_wait3A_135, %dma_wait3A_136] : memref<1280x16xi32, #tpu.memory_space<vmem>> -> memref<128x16xi32, #tpu.memory_space<vmem>>
    %dma_wait3A_138 = arith.constant 0 : i32
    %dma_wait3A_139 = arith.constant 0 : i32
    %dma_wait3A_140 = tpu.memref_slice %arg4[%dma_wait3A_138, %dma_wait3A_139] : memref<100000x16xi32, #tpu.memory_space<hbm>> -> memref<128x16xi32, #tpu.memory_space<hbm>>
    tpu.wait_dma2 semaphore(%arg11 : memref<!tpu.dma_semaphore, #tpu.memory_space<semaphore_mem>>) src(%dma_wait3A_140 : memref<128x16xi32, #tpu.memory_space<hbm>>) dst(%dma_wait3A_137 : memref<128x16xi32, #tpu.memory_space<vmem>>)
    %dma_wait3A_141 = arith.constant 384 : i32
    %dma_wait3A_142 = arith.constant 0 : i32
    %dma_wait3A_143 = tpu.memref_slice %arg8[%dma_wait3A_141, %dma_wait3A_142] : memref<1280x16xi32, #tpu.memory_space<vmem>> -> memref<128x16xi32, #tpu.memory_space<vmem>>
    %dma_wait3A_144 = arith.constant 0 : i32
    %dma_wait3A_145 = arith.constant 0 : i32
    %dma_wait3A_146 = tpu.memref_slice %arg4[%dma_wait3A_144, %dma_wait3A_145] : memref<100000x16xi32, #tpu.memory_space<hbm>> -> memref<128x16xi32, #tpu.memory_space<hbm>>
    %dma_wait3A_147 = arith.constant 384 : i32
    %dma_wait3A_148 = arith.constant 0 : i32
    %dma_wait3A_149 = tpu.memref_slice %arg8[%dma_wait3A_147, %dma_wait3A_148] : memref<1280x16xi32, #tpu.memory_space<vmem>> -> memref<128x16xi32, #tpu.memory_space<vmem>>
    %dma_wait3A_150 = arith.constant 0 : i32
    %dma_wait3A_151 = arith.constant 0 : i32
    %dma_wait3A_152 = tpu.memref_slice %arg4[%dma_wait3A_150, %dma_wait3A_151] : memref<100000x16xi32, #tpu.memory_space<hbm>> -> memref<128x16xi32, #tpu.memory_space<hbm>>
    tpu.wait_dma2 semaphore(%arg11 : memref<!tpu.dma_semaphore, #tpu.memory_space<semaphore_mem>>) src(%dma_wait3A_152 : memref<128x16xi32, #tpu.memory_space<hbm>>) dst(%dma_wait3A_149 : memref<128x16xi32, #tpu.memory_space<vmem>>)
    %dma_wait3A_153 = arith.constant 512 : i32
    %dma_wait3A_154 = arith.constant 0 : i32
    %dma_wait3A_155 = tpu.memref_slice %arg8[%dma_wait3A_153, %dma_wait3A_154] : memref<1280x16xi32, #tpu.memory_space<vmem>> -> memref<128x16xi32, #tpu.memory_space<vmem>>
    %dma_wait3A_156 = arith.constant 0 : i32
    %dma_wait3A_157 = arith.constant 0 : i32
    %dma_wait3A_158 = tpu.memref_slice %arg4[%dma_wait3A_156, %dma_wait3A_157] : memref<100000x16xi32, #tpu.memory_space<hbm>> -> memref<128x16xi32, #tpu.memory_space<hbm>>
    %dma_wait3A_159 = arith.constant 512 : i32
    %dma_wait3A_160 = arith.constant 0 : i32
    %dma_wait3A_161 = tpu.memref_slice %arg8[%dma_wait3A_159, %dma_wait3A_160] : memref<1280x16xi32, #tpu.memory_space<vmem>> -> memref<128x16xi32, #tpu.memory_space<vmem>>
    %dma_wait3A_162 = arith.constant 0 : i32
    %dma_wait3A_163 = arith.constant 0 : i32
    %dma_wait3A_164 = tpu.memref_slice %arg4[%dma_wait3A_162, %dma_wait3A_163] : memref<100000x16xi32, #tpu.memory_space<hbm>> -> memref<128x16xi32, #tpu.memory_space<hbm>>
    tpu.wait_dma2 semaphore(%arg11 : memref<!tpu.dma_semaphore, #tpu.memory_space<semaphore_mem>>) src(%dma_wait3A_164 : memref<128x16xi32, #tpu.memory_space<hbm>>) dst(%dma_wait3A_161 : memref<128x16xi32, #tpu.memory_space<vmem>>)
    %scan3A_165 = arith.constant 0 : i32
    %scan3A_166 = arith.constant 0 : i32
    %scan3A_167 = arith.constant 32 : i32
    %scan3A_168 = arith.addi %scan3A_166, %scan3A_167 : i32
    %scan3A_169 = arith.constant 1 : i32
    %scan3A_170 = scf.for %scan3A_181 = %scan3A_166 to %scan3A_168 step %scan3A_169 iter_args(%scan3A_182 = %scan3A_165) -> (i32)  : i32 {
      %mul3A_183 = arith.constant 50 : i32
      %mul3A_184 = arith.muli %scan3A_181, %mul3A_183 : i32
      %mul3A_185 = arith.constant 32 : i32
      %mul3A_186 = arith.muli %add3A, %mul3A_185 : i32
      %add3A_187 = arith.addi %mul3A_186, %scan3A_181 : i32
      %dma_start3A_188 = arith.constant 0 : i32
      %dma_start3A_189 = tpu.memref_slice %arg9[%mul3A_184, %dma_start3A_188] : memref<1632x32xf32, #tpu.memory_space<vmem>> -> memref<50x32xf32, #tpu.memory_space<vmem>>
      %dma_start3A_190 = arith.constant 0 : i32
      %dma_start3A_191 = arith.constant 0 : i32
      %dma_start3A_192 = tpu.memref_slice %arg5[%add3A_187, %dma_start3A_190, %dma_start3A_191] : memref<1024x50x32xf32, #tpu.memory_space<hbm>> -> memref<1x50x32xf32, #tpu.memory_space<hbm>>
      %dma_start3A_193 = tpu.memref_squeeze %dma_start3A_192 : memref<1x50x32xf32, #tpu.memory_space<hbm>> -> memref<50x32xf32, #tpu.memory_space<hbm>>
      %dma_start3A_194 = arith.constant 0 : i32
      %dma_start3A_195 = arith.constant 0 : i32
      %dma_start3A_196 = tpu.memref_slice %arg5[%add3A_187, %dma_start3A_194, %dma_start3A_195] : memref<1024x50x32xf32, #tpu.memory_space<hbm>> -> memref<1x50x32xf32, #tpu.memory_space<hbm>>
      %dma_start3A_197 = tpu.memref_squeeze %dma_start3A_196 : memref<1x50x32xf32, #tpu.memory_space<hbm>> -> memref<50x32xf32, #tpu.memory_space<hbm>>
      %dma_start3A_198 = arith.constant 0 : i32
      %dma_start3A_199 = tpu.memref_slice %arg9[%mul3A_184, %dma_start3A_198] : memref<1632x32xf32, #tpu.memory_space<vmem>> -> memref<50x32xf32, #tpu.memory_space<vmem>>
      tpu.enqueue_dma source(%dma_start3A_199 : memref<50x32xf32, #tpu.memory_space<vmem>>) target(%dma_start3A_197 : memref<50x32xf32, #tpu.memory_space<hbm>>) target_semaphore(%arg10 : memref<!tpu.dma_semaphore, #tpu.memory_space<semaphore_mem>>)
      %scan3A_200 = arith.constant 0 : i32
      scf.yield %scan3A_200 : i32
    }
    %scan3A_171 = arith.constant 32 : i32
    %mul3A_172 = arith.constant 32 : i32
    %mul3A_173 = arith.muli %add3A, %mul3A_172 : i32
    "tpu.region"() ({
      %run_scoped3A = tpu.sem_alloc : memref<!tpu.dma_semaphore, #tpu.memory_space<semaphore_mem>>
      %dma_start3A_181 = arith.constant 1600 : i32
      %dma_start3A_182 = arith.constant 0 : i32
      %dma_start3A_183 = tpu.memref_slice %arg9[%dma_start3A_181, %dma_start3A_182] : memref<1632x32xf32, #tpu.memory_space<vmem>> -> memref<32x32xf32, #tpu.memory_space<vmem>>
      %dma_start3A_184 = arith.constant 0 : i32
      %dma_start3A_185 = tpu.memref_slice %arg6[%mul3A_173, %dma_start3A_184] : memref<1024x32xf32, #tpu.memory_space<hbm>> -> memref<32x32xf32, #tpu.memory_space<hbm>>
      %dma_start3A_186 = arith.constant 0 : i32
      %dma_start3A_187 = tpu.memref_slice %arg6[%mul3A_173, %dma_start3A_186] : memref<1024x32xf32, #tpu.memory_space<hbm>> -> memref<32x32xf32, #tpu.memory_space<hbm>>
      %dma_start3A_188 = arith.constant 1600 : i32
      %dma_start3A_189 = arith.constant 0 : i32
      %dma_start3A_190 = tpu.memref_slice %arg9[%dma_start3A_188, %dma_start3A_189] : memref<1632x32xf32, #tpu.memory_space<vmem>> -> memref<32x32xf32, #tpu.memory_space<vmem>>
      tpu.enqueue_dma source(%dma_start3A_190 : memref<32x32xf32, #tpu.memory_space<vmem>>) target(%dma_start3A_187 : memref<32x32xf32, #tpu.memory_space<hbm>>) target_semaphore(%run_scoped3A : memref<!tpu.dma_semaphore, #tpu.memory_space<semaphore_mem>>)
      %dma_wait3A_191 = arith.constant 1600 : i32
      %dma_wait3A_192 = arith.constant 0 : i32
      %dma_wait3A_193 = tpu.memref_slice %arg9[%dma_wait3A_191, %dma_wait3A_192] : memref<1632x32xf32, #tpu.memory_space<vmem>> -> memref<32x32xf32, #tpu.memory_space<vmem>>
      %dma_wait3A_194 = arith.constant 0 : i32
      %dma_wait3A_195 = tpu.memref_slice %arg6[%mul3A_173, %dma_wait3A_194] : memref<1024x32xf32, #tpu.memory_space<hbm>> -> memref<32x32xf32, #tpu.memory_space<hbm>>
      %dma_wait3A_196 = arith.constant 0 : i32
      %dma_wait3A_197 = tpu.memref_slice %arg6[%mul3A_173, %dma_wait3A_196] : memref<1024x32xf32, #tpu.memory_space<hbm>> -> memref<32x32xf32, #tpu.memory_space<hbm>>
      %dma_wait3A_198 = arith.constant 1600 : i32
      %dma_wait3A_199 = arith.constant 0 : i32
      %dma_wait3A_200 = tpu.memref_slice %arg9[%dma_wait3A_198, %dma_wait3A_199] : memref<1632x32xf32, #tpu.memory_space<vmem>> -> memref<32x32xf32, #tpu.memory_space<vmem>>
      tpu.wait_dma2 semaphore(%run_scoped3A : memref<!tpu.dma_semaphore, #tpu.memory_space<semaphore_mem>>) src(%dma_wait3A_200 : memref<32x32xf32, #tpu.memory_space<vmem>>) dst(%dma_wait3A_197 : memref<32x32xf32, #tpu.memory_space<hbm>>)
      tpu.yield
    }) : () -> ()
    %scan3A_174 = arith.constant 0 : i32
    %scan3A_175 = arith.constant 0 : i32
    %scan3A_176 = arith.constant 32 : i32
    %scan3A_177 = arith.addi %scan3A_175, %scan3A_176 : i32
    %scan3A_178 = arith.constant 1 : i32
    %scan3A_179 = scf.for %scan3A_181 = %scan3A_175 to %scan3A_177 step %scan3A_178 iter_args(%scan3A_182 = %scan3A_174) -> (i32)  : i32 {
      %mul3A_183 = arith.constant 32 : i32
      %mul3A_184 = arith.muli %add3A, %mul3A_183 : i32
      %dma_wait3A_185 = arith.constant 0 : i32
      %dma_wait3A_186 = arith.constant 0 : i32
      %dma_wait3A_187 = tpu.memref_slice %arg9[%dma_wait3A_185, %dma_wait3A_186] : memref<1632x32xf32, #tpu.memory_space<vmem>> -> memref<50x32xf32, #tpu.memory_space<vmem>>
      %dma_wait3A_188 = arith.constant 0 : i32
      %dma_wait3A_189 = arith.constant 0 : i32
      %dma_wait3A_190 = tpu.memref_slice %arg5[%mul3A_184, %dma_wait3A_188, %dma_wait3A_189] : memref<1024x50x32xf32, #tpu.memory_space<hbm>> -> memref<1x50x32xf32, #tpu.memory_space<hbm>>
      %dma_wait3A_191 = tpu.memref_squeeze %dma_wait3A_190 : memref<1x50x32xf32, #tpu.memory_space<hbm>> -> memref<50x32xf32, #tpu.memory_space<hbm>>
      %dma_wait3A_192 = arith.constant 0 : i32
      %dma_wait3A_193 = arith.constant 0 : i32
      %dma_wait3A_194 = tpu.memref_slice %arg9[%dma_wait3A_192, %dma_wait3A_193] : memref<1632x32xf32, #tpu.memory_space<vmem>> -> memref<50x32xf32, #tpu.memory_space<vmem>>
      %dma_wait3A_195 = arith.constant 0 : i32
      %dma_wait3A_196 = arith.constant 0 : i32
      %dma_wait3A_197 = tpu.memref_slice %arg5[%mul3A_184, %dma_wait3A_195, %dma_wait3A_196] : memref<1024x50x32xf32, #tpu.memory_space<hbm>> -> memref<1x50x32xf32, #tpu.memory_space<hbm>>
      %dma_wait3A_198 = tpu.memref_squeeze %dma_wait3A_197 : memref<1x50x32xf32, #tpu.memory_space<hbm>> -> memref<50x32xf32, #tpu.memory_space<hbm>>
      tpu.wait_dma2 semaphore(%arg10 : memref<!tpu.dma_semaphore, #tpu.memory_space<semaphore_mem>>) src(%dma_wait3A_198 : memref<50x32xf32, #tpu.memory_space<hbm>>) dst(%dma_wait3A_194 : memref<50x32xf32, #tpu.memory_space<vmem>>)
      %scan3A_199 = arith.constant 0 : i32
      scf.yield %scan3A_199 : i32
    }
    %scan3A_180 = arith.constant 32 : i32
    return
  }
}

module attributes {stable_mosaic.version = 14 : i64} {
  func.func @_hops_body(%arg0: i32, %arg1: memref<128x50x32xf32, #tpu.memory_space<vmem>>, %arg2: memref<128x32xf32, #tpu.memory_space<vmem>>, %arg3: memref<32x32xf32, #tpu.memory_space<vmem>>, %arg4: memref<32x1xf32, #tpu.memory_space<vmem>>, %arg5: memref<128x32xf32, #tpu.memory_space<vmem>>) attributes {dimension_semantics = [#tpu.dimension_semantics<arbitrary>], iteration_bounds = array<i64: 8>, scalar_prefetch = 0 : i64, scratch_operands = 0 : i64, tpu.core_type = #tpu.core_type<tc>, window_params = [{transform_indices = @transform_0, window_bounds = array<i64: 128, 50, 32>}, {transform_indices = @transform_1, window_bounds = array<i64: 128, 32>}, {pipeline_mode = #tpu.pipeline_mode<synchronous>, transform_indices = @transform_2, window_bounds = array<i64: 32, 32>}, {pipeline_mode = #tpu.pipeline_mode<synchronous>, transform_indices = @transform_3, window_bounds = array<i64: 32, 1>}, {transform_indices = @transform_4, window_bounds = array<i64: 128, 32>}]} {
    %get3A = arith.constant 0 : index
    %get3A_0 = arith.constant 0 : index
    %get3A_1 = arith.constant 0 : index
    %get3A_2 = vector.load %arg1[%get3A, %get3A_0, %get3A_1] : memref<128x50x32xf32, #tpu.memory_space<vmem>>, vector<128x1x32xf32>
    %get3A_3 = vector.shape_cast %get3A_2 : vector<128x1x32xf32> to vector<128x32xf32>
    %transpose3A = tpu.transpose %get3A_3, [1, 0] : vector<128x32xf32> -> vector<32x128xf32>
    %get3A_4 = arith.constant 0 : index
    %get3A_5 = arith.constant 1 : index
    %get3A_6 = arith.constant 0 : index
    %get3A_7 = vector.load %arg1[%get3A_4, %get3A_5, %get3A_6] : memref<128x50x32xf32, #tpu.memory_space<vmem>>, vector<128x1x32xf32>
    %get3A_8 = vector.shape_cast %get3A_7 : vector<128x1x32xf32> to vector<128x32xf32>
    %transpose3A_9 = tpu.transpose %get3A_8, [1, 0] : vector<128x32xf32> -> vector<32x128xf32>
    %get3A_10 = arith.constant 0 : index
    %get3A_11 = arith.constant 2 : index
    %get3A_12 = arith.constant 0 : index
    %get3A_13 = vector.load %arg1[%get3A_10, %get3A_11, %get3A_12] : memref<128x50x32xf32, #tpu.memory_space<vmem>>, vector<128x1x32xf32>
    %get3A_14 = vector.shape_cast %get3A_13 : vector<128x1x32xf32> to vector<128x32xf32>
    %transpose3A_15 = tpu.transpose %get3A_14, [1, 0] : vector<128x32xf32> -> vector<32x128xf32>
    %get3A_16 = arith.constant 0 : index
    %get3A_17 = arith.constant 3 : index
    %get3A_18 = arith.constant 0 : index
    %get3A_19 = vector.load %arg1[%get3A_16, %get3A_17, %get3A_18] : memref<128x50x32xf32, #tpu.memory_space<vmem>>, vector<128x1x32xf32>
    %get3A_20 = vector.shape_cast %get3A_19 : vector<128x1x32xf32> to vector<128x32xf32>
    %transpose3A_21 = tpu.transpose %get3A_20, [1, 0] : vector<128x32xf32> -> vector<32x128xf32>
    %get3A_22 = arith.constant 0 : index
    %get3A_23 = arith.constant 4 : index
    %get3A_24 = arith.constant 0 : index
    %get3A_25 = vector.load %arg1[%get3A_22, %get3A_23, %get3A_24] : memref<128x50x32xf32, #tpu.memory_space<vmem>>, vector<128x1x32xf32>
    %get3A_26 = vector.shape_cast %get3A_25 : vector<128x1x32xf32> to vector<128x32xf32>
    %transpose3A_27 = tpu.transpose %get3A_26, [1, 0] : vector<128x32xf32> -> vector<32x128xf32>
    %get3A_28 = arith.constant 0 : index
    %get3A_29 = arith.constant 5 : index
    %get3A_30 = arith.constant 0 : index
    %get3A_31 = vector.load %arg1[%get3A_28, %get3A_29, %get3A_30] : memref<128x50x32xf32, #tpu.memory_space<vmem>>, vector<128x1x32xf32>
    %get3A_32 = vector.shape_cast %get3A_31 : vector<128x1x32xf32> to vector<128x32xf32>
    %transpose3A_33 = tpu.transpose %get3A_32, [1, 0] : vector<128x32xf32> -> vector<32x128xf32>
    %get3A_34 = arith.constant 0 : index
    %get3A_35 = arith.constant 6 : index
    %get3A_36 = arith.constant 0 : index
    %get3A_37 = vector.load %arg1[%get3A_34, %get3A_35, %get3A_36] : memref<128x50x32xf32, #tpu.memory_space<vmem>>, vector<128x1x32xf32>
    %get3A_38 = vector.shape_cast %get3A_37 : vector<128x1x32xf32> to vector<128x32xf32>
    %transpose3A_39 = tpu.transpose %get3A_38, [1, 0] : vector<128x32xf32> -> vector<32x128xf32>
    %get3A_40 = arith.constant 0 : index
    %get3A_41 = arith.constant 7 : index
    %get3A_42 = arith.constant 0 : index
    %get3A_43 = vector.load %arg1[%get3A_40, %get3A_41, %get3A_42] : memref<128x50x32xf32, #tpu.memory_space<vmem>>, vector<128x1x32xf32>
    %get3A_44 = vector.shape_cast %get3A_43 : vector<128x1x32xf32> to vector<128x32xf32>
    %transpose3A_45 = tpu.transpose %get3A_44, [1, 0] : vector<128x32xf32> -> vector<32x128xf32>
    %get3A_46 = arith.constant 0 : index
    %get3A_47 = arith.constant 8 : index
    %get3A_48 = arith.constant 0 : index
    %get3A_49 = vector.load %arg1[%get3A_46, %get3A_47, %get3A_48] : memref<128x50x32xf32, #tpu.memory_space<vmem>>, vector<128x1x32xf32>
    %get3A_50 = vector.shape_cast %get3A_49 : vector<128x1x32xf32> to vector<128x32xf32>
    %transpose3A_51 = tpu.transpose %get3A_50, [1, 0] : vector<128x32xf32> -> vector<32x128xf32>
    %get3A_52 = arith.constant 0 : index
    %get3A_53 = arith.constant 9 : index
    %get3A_54 = arith.constant 0 : index
    %get3A_55 = vector.load %arg1[%get3A_52, %get3A_53, %get3A_54] : memref<128x50x32xf32, #tpu.memory_space<vmem>>, vector<128x1x32xf32>
    %get3A_56 = vector.shape_cast %get3A_55 : vector<128x1x32xf32> to vector<128x32xf32>
    %transpose3A_57 = tpu.transpose %get3A_56, [1, 0] : vector<128x32xf32> -> vector<32x128xf32>
    %get3A_58 = arith.constant 0 : index
    %get3A_59 = arith.constant 10 : index
    %get3A_60 = arith.constant 0 : index
    %get3A_61 = vector.load %arg1[%get3A_58, %get3A_59, %get3A_60] : memref<128x50x32xf32, #tpu.memory_space<vmem>>, vector<128x1x32xf32>
    %get3A_62 = vector.shape_cast %get3A_61 : vector<128x1x32xf32> to vector<128x32xf32>
    %transpose3A_63 = tpu.transpose %get3A_62, [1, 0] : vector<128x32xf32> -> vector<32x128xf32>
    %get3A_64 = arith.constant 0 : index
    %get3A_65 = arith.constant 11 : index
    %get3A_66 = arith.constant 0 : index
    %get3A_67 = vector.load %arg1[%get3A_64, %get3A_65, %get3A_66] : memref<128x50x32xf32, #tpu.memory_space<vmem>>, vector<128x1x32xf32>
    %get3A_68 = vector.shape_cast %get3A_67 : vector<128x1x32xf32> to vector<128x32xf32>
    %transpose3A_69 = tpu.transpose %get3A_68, [1, 0] : vector<128x32xf32> -> vector<32x128xf32>
    %get3A_70 = arith.constant 0 : index
    %get3A_71 = arith.constant 12 : index
    %get3A_72 = arith.constant 0 : index
    %get3A_73 = vector.load %arg1[%get3A_70, %get3A_71, %get3A_72] : memref<128x50x32xf32, #tpu.memory_space<vmem>>, vector<128x1x32xf32>
    %get3A_74 = vector.shape_cast %get3A_73 : vector<128x1x32xf32> to vector<128x32xf32>
    %transpose3A_75 = tpu.transpose %get3A_74, [1, 0] : vector<128x32xf32> -> vector<32x128xf32>
    %get3A_76 = arith.constant 0 : index
    %get3A_77 = arith.constant 13 : index
    %get3A_78 = arith.constant 0 : index
    %get3A_79 = vector.load %arg1[%get3A_76, %get3A_77, %get3A_78] : memref<128x50x32xf32, #tpu.memory_space<vmem>>, vector<128x1x32xf32>
    %get3A_80 = vector.shape_cast %get3A_79 : vector<128x1x32xf32> to vector<128x32xf32>
    %transpose3A_81 = tpu.transpose %get3A_80, [1, 0] : vector<128x32xf32> -> vector<32x128xf32>
    %get3A_82 = arith.constant 0 : index
    %get3A_83 = arith.constant 14 : index
    %get3A_84 = arith.constant 0 : index
    %get3A_85 = vector.load %arg1[%get3A_82, %get3A_83, %get3A_84] : memref<128x50x32xf32, #tpu.memory_space<vmem>>, vector<128x1x32xf32>
    %get3A_86 = vector.shape_cast %get3A_85 : vector<128x1x32xf32> to vector<128x32xf32>
    %transpose3A_87 = tpu.transpose %get3A_86, [1, 0] : vector<128x32xf32> -> vector<32x128xf32>
    %get3A_88 = arith.constant 0 : index
    %get3A_89 = arith.constant 15 : index
    %get3A_90 = arith.constant 0 : index
    %get3A_91 = vector.load %arg1[%get3A_88, %get3A_89, %get3A_90] : memref<128x50x32xf32, #tpu.memory_space<vmem>>, vector<128x1x32xf32>
    %get3A_92 = vector.shape_cast %get3A_91 : vector<128x1x32xf32> to vector<128x32xf32>
    %transpose3A_93 = tpu.transpose %get3A_92, [1, 0] : vector<128x32xf32> -> vector<32x128xf32>
    %get3A_94 = arith.constant 0 : index
    %get3A_95 = arith.constant 16 : index
    %get3A_96 = arith.constant 0 : index
    %get3A_97 = vector.load %arg1[%get3A_94, %get3A_95, %get3A_96] : memref<128x50x32xf32, #tpu.memory_space<vmem>>, vector<128x1x32xf32>
    %get3A_98 = vector.shape_cast %get3A_97 : vector<128x1x32xf32> to vector<128x32xf32>
    %transpose3A_99 = tpu.transpose %get3A_98, [1, 0] : vector<128x32xf32> -> vector<32x128xf32>
    %get3A_100 = arith.constant 0 : index
    %get3A_101 = arith.constant 17 : index
    %get3A_102 = arith.constant 0 : index
    %get3A_103 = vector.load %arg1[%get3A_100, %get3A_101, %get3A_102] : memref<128x50x32xf32, #tpu.memory_space<vmem>>, vector<128x1x32xf32>
    %get3A_104 = vector.shape_cast %get3A_103 : vector<128x1x32xf32> to vector<128x32xf32>
    %transpose3A_105 = tpu.transpose %get3A_104, [1, 0] : vector<128x32xf32> -> vector<32x128xf32>
    %get3A_106 = arith.constant 0 : index
    %get3A_107 = arith.constant 18 : index
    %get3A_108 = arith.constant 0 : index
    %get3A_109 = vector.load %arg1[%get3A_106, %get3A_107, %get3A_108] : memref<128x50x32xf32, #tpu.memory_space<vmem>>, vector<128x1x32xf32>
    %get3A_110 = vector.shape_cast %get3A_109 : vector<128x1x32xf32> to vector<128x32xf32>
    %transpose3A_111 = tpu.transpose %get3A_110, [1, 0] : vector<128x32xf32> -> vector<32x128xf32>
    %get3A_112 = arith.constant 0 : index
    %get3A_113 = arith.constant 19 : index
    %get3A_114 = arith.constant 0 : index
    %get3A_115 = vector.load %arg1[%get3A_112, %get3A_113, %get3A_114] : memref<128x50x32xf32, #tpu.memory_space<vmem>>, vector<128x1x32xf32>
    %get3A_116 = vector.shape_cast %get3A_115 : vector<128x1x32xf32> to vector<128x32xf32>
    %transpose3A_117 = tpu.transpose %get3A_116, [1, 0] : vector<128x32xf32> -> vector<32x128xf32>
    %get3A_118 = arith.constant 0 : index
    %get3A_119 = arith.constant 20 : index
    %get3A_120 = arith.constant 0 : index
    %get3A_121 = vector.load %arg1[%get3A_118, %get3A_119, %get3A_120] : memref<128x50x32xf32, #tpu.memory_space<vmem>>, vector<128x1x32xf32>
    %get3A_122 = vector.shape_cast %get3A_121 : vector<128x1x32xf32> to vector<128x32xf32>
    %transpose3A_123 = tpu.transpose %get3A_122, [1, 0] : vector<128x32xf32> -> vector<32x128xf32>
    %get3A_124 = arith.constant 0 : index
    %get3A_125 = arith.constant 21 : index
    %get3A_126 = arith.constant 0 : index
    %get3A_127 = vector.load %arg1[%get3A_124, %get3A_125, %get3A_126] : memref<128x50x32xf32, #tpu.memory_space<vmem>>, vector<128x1x32xf32>
    %get3A_128 = vector.shape_cast %get3A_127 : vector<128x1x32xf32> to vector<128x32xf32>
    %transpose3A_129 = tpu.transpose %get3A_128, [1, 0] : vector<128x32xf32> -> vector<32x128xf32>
    %get3A_130 = arith.constant 0 : index
    %get3A_131 = arith.constant 22 : index
    %get3A_132 = arith.constant 0 : index
    %get3A_133 = vector.load %arg1[%get3A_130, %get3A_131, %get3A_132] : memref<128x50x32xf32, #tpu.memory_space<vmem>>, vector<128x1x32xf32>
    %get3A_134 = vector.shape_cast %get3A_133 : vector<128x1x32xf32> to vector<128x32xf32>
    %transpose3A_135 = tpu.transpose %get3A_134, [1, 0] : vector<128x32xf32> -> vector<32x128xf32>
    %get3A_136 = arith.constant 0 : index
    %get3A_137 = arith.constant 23 : index
    %get3A_138 = arith.constant 0 : index
    %get3A_139 = vector.load %arg1[%get3A_136, %get3A_137, %get3A_138] : memref<128x50x32xf32, #tpu.memory_space<vmem>>, vector<128x1x32xf32>
    %get3A_140 = vector.shape_cast %get3A_139 : vector<128x1x32xf32> to vector<128x32xf32>
    %transpose3A_141 = tpu.transpose %get3A_140, [1, 0] : vector<128x32xf32> -> vector<32x128xf32>
    %get3A_142 = arith.constant 0 : index
    %get3A_143 = arith.constant 24 : index
    %get3A_144 = arith.constant 0 : index
    %get3A_145 = vector.load %arg1[%get3A_142, %get3A_143, %get3A_144] : memref<128x50x32xf32, #tpu.memory_space<vmem>>, vector<128x1x32xf32>
    %get3A_146 = vector.shape_cast %get3A_145 : vector<128x1x32xf32> to vector<128x32xf32>
    %transpose3A_147 = tpu.transpose %get3A_146, [1, 0] : vector<128x32xf32> -> vector<32x128xf32>
    %get3A_148 = arith.constant 0 : index
    %get3A_149 = arith.constant 25 : index
    %get3A_150 = arith.constant 0 : index
    %get3A_151 = vector.load %arg1[%get3A_148, %get3A_149, %get3A_150] : memref<128x50x32xf32, #tpu.memory_space<vmem>>, vector<128x1x32xf32>
    %get3A_152 = vector.shape_cast %get3A_151 : vector<128x1x32xf32> to vector<128x32xf32>
    %transpose3A_153 = tpu.transpose %get3A_152, [1, 0] : vector<128x32xf32> -> vector<32x128xf32>
    %get3A_154 = arith.constant 0 : index
    %get3A_155 = arith.constant 26 : index
    %get3A_156 = arith.constant 0 : index
    %get3A_157 = vector.load %arg1[%get3A_154, %get3A_155, %get3A_156] : memref<128x50x32xf32, #tpu.memory_space<vmem>>, vector<128x1x32xf32>
    %get3A_158 = vector.shape_cast %get3A_157 : vector<128x1x32xf32> to vector<128x32xf32>
    %transpose3A_159 = tpu.transpose %get3A_158, [1, 0] : vector<128x32xf32> -> vector<32x128xf32>
    %get3A_160 = arith.constant 0 : index
    %get3A_161 = arith.constant 27 : index
    %get3A_162 = arith.constant 0 : index
    %get3A_163 = vector.load %arg1[%get3A_160, %get3A_161, %get3A_162] : memref<128x50x32xf32, #tpu.memory_space<vmem>>, vector<128x1x32xf32>
    %get3A_164 = vector.shape_cast %get3A_163 : vector<128x1x32xf32> to vector<128x32xf32>
    %transpose3A_165 = tpu.transpose %get3A_164, [1, 0] : vector<128x32xf32> -> vector<32x128xf32>
    %get3A_166 = arith.constant 0 : index
    %get3A_167 = arith.constant 28 : index
    %get3A_168 = arith.constant 0 : index
    %get3A_169 = vector.load %arg1[%get3A_166, %get3A_167, %get3A_168] : memref<128x50x32xf32, #tpu.memory_space<vmem>>, vector<128x1x32xf32>
    %get3A_170 = vector.shape_cast %get3A_169 : vector<128x1x32xf32> to vector<128x32xf32>
    %transpose3A_171 = tpu.transpose %get3A_170, [1, 0] : vector<128x32xf32> -> vector<32x128xf32>
    %get3A_172 = arith.constant 0 : index
    %get3A_173 = arith.constant 29 : index
    %get3A_174 = arith.constant 0 : index
    %get3A_175 = vector.load %arg1[%get3A_172, %get3A_173, %get3A_174] : memref<128x50x32xf32, #tpu.memory_space<vmem>>, vector<128x1x32xf32>
    %get3A_176 = vector.shape_cast %get3A_175 : vector<128x1x32xf32> to vector<128x32xf32>
    %transpose3A_177 = tpu.transpose %get3A_176, [1, 0] : vector<128x32xf32> -> vector<32x128xf32>
    %get3A_178 = arith.constant 0 : index
    %get3A_179 = arith.constant 30 : index
    %get3A_180 = arith.constant 0 : index
    %get3A_181 = vector.load %arg1[%get3A_178, %get3A_179, %get3A_180] : memref<128x50x32xf32, #tpu.memory_space<vmem>>, vector<128x1x32xf32>
    %get3A_182 = vector.shape_cast %get3A_181 : vector<128x1x32xf32> to vector<128x32xf32>
    %transpose3A_183 = tpu.transpose %get3A_182, [1, 0] : vector<128x32xf32> -> vector<32x128xf32>
    %get3A_184 = arith.constant 0 : index
    %get3A_185 = arith.constant 31 : index
    %get3A_186 = arith.constant 0 : index
    %get3A_187 = vector.load %arg1[%get3A_184, %get3A_185, %get3A_186] : memref<128x50x32xf32, #tpu.memory_space<vmem>>, vector<128x1x32xf32>
    %get3A_188 = vector.shape_cast %get3A_187 : vector<128x1x32xf32> to vector<128x32xf32>
    %transpose3A_189 = tpu.transpose %get3A_188, [1, 0] : vector<128x32xf32> -> vector<32x128xf32>
    %get3A_190 = arith.constant 0 : index
    %get3A_191 = arith.constant 32 : index
    %get3A_192 = arith.constant 0 : index
    %get3A_193 = vector.load %arg1[%get3A_190, %get3A_191, %get3A_192] : memref<128x50x32xf32, #tpu.memory_space<vmem>>, vector<128x1x32xf32>
    %get3A_194 = vector.shape_cast %get3A_193 : vector<128x1x32xf32> to vector<128x32xf32>
    %transpose3A_195 = tpu.transpose %get3A_194, [1, 0] : vector<128x32xf32> -> vector<32x128xf32>
    %get3A_196 = arith.constant 0 : index
    %get3A_197 = arith.constant 33 : index
    %get3A_198 = arith.constant 0 : index
    %get3A_199 = vector.load %arg1[%get3A_196, %get3A_197, %get3A_198] : memref<128x50x32xf32, #tpu.memory_space<vmem>>, vector<128x1x32xf32>
    %get3A_200 = vector.shape_cast %get3A_199 : vector<128x1x32xf32> to vector<128x32xf32>
    %transpose3A_201 = tpu.transpose %get3A_200, [1, 0] : vector<128x32xf32> -> vector<32x128xf32>
    %get3A_202 = arith.constant 0 : index
    %get3A_203 = arith.constant 34 : index
    %get3A_204 = arith.constant 0 : index
    %get3A_205 = vector.load %arg1[%get3A_202, %get3A_203, %get3A_204] : memref<128x50x32xf32, #tpu.memory_space<vmem>>, vector<128x1x32xf32>
    %get3A_206 = vector.shape_cast %get3A_205 : vector<128x1x32xf32> to vector<128x32xf32>
    %transpose3A_207 = tpu.transpose %get3A_206, [1, 0] : vector<128x32xf32> -> vector<32x128xf32>
    %get3A_208 = arith.constant 0 : index
    %get3A_209 = arith.constant 35 : index
    %get3A_210 = arith.constant 0 : index
    %get3A_211 = vector.load %arg1[%get3A_208, %get3A_209, %get3A_210] : memref<128x50x32xf32, #tpu.memory_space<vmem>>, vector<128x1x32xf32>
    %get3A_212 = vector.shape_cast %get3A_211 : vector<128x1x32xf32> to vector<128x32xf32>
    %transpose3A_213 = tpu.transpose %get3A_212, [1, 0] : vector<128x32xf32> -> vector<32x128xf32>
    %get3A_214 = arith.constant 0 : index
    %get3A_215 = arith.constant 36 : index
    %get3A_216 = arith.constant 0 : index
    %get3A_217 = vector.load %arg1[%get3A_214, %get3A_215, %get3A_216] : memref<128x50x32xf32, #tpu.memory_space<vmem>>, vector<128x1x32xf32>
    %get3A_218 = vector.shape_cast %get3A_217 : vector<128x1x32xf32> to vector<128x32xf32>
    %transpose3A_219 = tpu.transpose %get3A_218, [1, 0] : vector<128x32xf32> -> vector<32x128xf32>
    %get3A_220 = arith.constant 0 : index
    %get3A_221 = arith.constant 37 : index
    %get3A_222 = arith.constant 0 : index
    %get3A_223 = vector.load %arg1[%get3A_220, %get3A_221, %get3A_222] : memref<128x50x32xf32, #tpu.memory_space<vmem>>, vector<128x1x32xf32>
    %get3A_224 = vector.shape_cast %get3A_223 : vector<128x1x32xf32> to vector<128x32xf32>
    %transpose3A_225 = tpu.transpose %get3A_224, [1, 0] : vector<128x32xf32> -> vector<32x128xf32>
    %get3A_226 = arith.constant 0 : index
    %get3A_227 = arith.constant 38 : index
    %get3A_228 = arith.constant 0 : index
    %get3A_229 = vector.load %arg1[%get3A_226, %get3A_227, %get3A_228] : memref<128x50x32xf32, #tpu.memory_space<vmem>>, vector<128x1x32xf32>
    %get3A_230 = vector.shape_cast %get3A_229 : vector<128x1x32xf32> to vector<128x32xf32>
    %transpose3A_231 = tpu.transpose %get3A_230, [1, 0] : vector<128x32xf32> -> vector<32x128xf32>
    %get3A_232 = arith.constant 0 : index
    %get3A_233 = arith.constant 39 : index
    %get3A_234 = arith.constant 0 : index
    %get3A_235 = vector.load %arg1[%get3A_232, %get3A_233, %get3A_234] : memref<128x50x32xf32, #tpu.memory_space<vmem>>, vector<128x1x32xf32>
    %get3A_236 = vector.shape_cast %get3A_235 : vector<128x1x32xf32> to vector<128x32xf32>
    %transpose3A_237 = tpu.transpose %get3A_236, [1, 0] : vector<128x32xf32> -> vector<32x128xf32>
    %get3A_238 = arith.constant 0 : index
    %get3A_239 = arith.constant 40 : index
    %get3A_240 = arith.constant 0 : index
    %get3A_241 = vector.load %arg1[%get3A_238, %get3A_239, %get3A_240] : memref<128x50x32xf32, #tpu.memory_space<vmem>>, vector<128x1x32xf32>
    %get3A_242 = vector.shape_cast %get3A_241 : vector<128x1x32xf32> to vector<128x32xf32>
    %transpose3A_243 = tpu.transpose %get3A_242, [1, 0] : vector<128x32xf32> -> vector<32x128xf32>
    %get3A_244 = arith.constant 0 : index
    %get3A_245 = arith.constant 41 : index
    %get3A_246 = arith.constant 0 : index
    %get3A_247 = vector.load %arg1[%get3A_244, %get3A_245, %get3A_246] : memref<128x50x32xf32, #tpu.memory_space<vmem>>, vector<128x1x32xf32>
    %get3A_248 = vector.shape_cast %get3A_247 : vector<128x1x32xf32> to vector<128x32xf32>
    %transpose3A_249 = tpu.transpose %get3A_248, [1, 0] : vector<128x32xf32> -> vector<32x128xf32>
    %get3A_250 = arith.constant 0 : index
    %get3A_251 = arith.constant 42 : index
    %get3A_252 = arith.constant 0 : index
    %get3A_253 = vector.load %arg1[%get3A_250, %get3A_251, %get3A_252] : memref<128x50x32xf32, #tpu.memory_space<vmem>>, vector<128x1x32xf32>
    %get3A_254 = vector.shape_cast %get3A_253 : vector<128x1x32xf32> to vector<128x32xf32>
    %transpose3A_255 = tpu.transpose %get3A_254, [1, 0] : vector<128x32xf32> -> vector<32x128xf32>
    %get3A_256 = arith.constant 0 : index
    %get3A_257 = arith.constant 43 : index
    %get3A_258 = arith.constant 0 : index
    %get3A_259 = vector.load %arg1[%get3A_256, %get3A_257, %get3A_258] : memref<128x50x32xf32, #tpu.memory_space<vmem>>, vector<128x1x32xf32>
    %get3A_260 = vector.shape_cast %get3A_259 : vector<128x1x32xf32> to vector<128x32xf32>
    %transpose3A_261 = tpu.transpose %get3A_260, [1, 0] : vector<128x32xf32> -> vector<32x128xf32>
    %get3A_262 = arith.constant 0 : index
    %get3A_263 = arith.constant 44 : index
    %get3A_264 = arith.constant 0 : index
    %get3A_265 = vector.load %arg1[%get3A_262, %get3A_263, %get3A_264] : memref<128x50x32xf32, #tpu.memory_space<vmem>>, vector<128x1x32xf32>
    %get3A_266 = vector.shape_cast %get3A_265 : vector<128x1x32xf32> to vector<128x32xf32>
    %transpose3A_267 = tpu.transpose %get3A_266, [1, 0] : vector<128x32xf32> -> vector<32x128xf32>
    %get3A_268 = arith.constant 0 : index
    %get3A_269 = arith.constant 45 : index
    %get3A_270 = arith.constant 0 : index
    %get3A_271 = vector.load %arg1[%get3A_268, %get3A_269, %get3A_270] : memref<128x50x32xf32, #tpu.memory_space<vmem>>, vector<128x1x32xf32>
    %get3A_272 = vector.shape_cast %get3A_271 : vector<128x1x32xf32> to vector<128x32xf32>
    %transpose3A_273 = tpu.transpose %get3A_272, [1, 0] : vector<128x32xf32> -> vector<32x128xf32>
    %get3A_274 = arith.constant 0 : index
    %get3A_275 = arith.constant 46 : index
    %get3A_276 = arith.constant 0 : index
    %get3A_277 = vector.load %arg1[%get3A_274, %get3A_275, %get3A_276] : memref<128x50x32xf32, #tpu.memory_space<vmem>>, vector<128x1x32xf32>
    %get3A_278 = vector.shape_cast %get3A_277 : vector<128x1x32xf32> to vector<128x32xf32>
    %transpose3A_279 = tpu.transpose %get3A_278, [1, 0] : vector<128x32xf32> -> vector<32x128xf32>
    %get3A_280 = arith.constant 0 : index
    %get3A_281 = arith.constant 47 : index
    %get3A_282 = arith.constant 0 : index
    %get3A_283 = vector.load %arg1[%get3A_280, %get3A_281, %get3A_282] : memref<128x50x32xf32, #tpu.memory_space<vmem>>, vector<128x1x32xf32>
    %get3A_284 = vector.shape_cast %get3A_283 : vector<128x1x32xf32> to vector<128x32xf32>
    %transpose3A_285 = tpu.transpose %get3A_284, [1, 0] : vector<128x32xf32> -> vector<32x128xf32>
    %get3A_286 = arith.constant 0 : index
    %get3A_287 = arith.constant 48 : index
    %get3A_288 = arith.constant 0 : index
    %get3A_289 = vector.load %arg1[%get3A_286, %get3A_287, %get3A_288] : memref<128x50x32xf32, #tpu.memory_space<vmem>>, vector<128x1x32xf32>
    %get3A_290 = vector.shape_cast %get3A_289 : vector<128x1x32xf32> to vector<128x32xf32>
    %transpose3A_291 = tpu.transpose %get3A_290, [1, 0] : vector<128x32xf32> -> vector<32x128xf32>
    %get3A_292 = arith.constant 0 : index
    %get3A_293 = arith.constant 49 : index
    %get3A_294 = arith.constant 0 : index
    %get3A_295 = vector.load %arg1[%get3A_292, %get3A_293, %get3A_294] : memref<128x50x32xf32, #tpu.memory_space<vmem>>, vector<128x1x32xf32>
    %get3A_296 = vector.shape_cast %get3A_295 : vector<128x1x32xf32> to vector<128x32xf32>
    %transpose3A_297 = tpu.transpose %get3A_296, [1, 0] : vector<128x32xf32> -> vector<32x128xf32>
    %stack3A = vector.shape_cast %transpose3A : vector<32x128xf32> to vector<1x32x128xf32>
    %stack3A_298 = vector.shape_cast %transpose3A_9 : vector<32x128xf32> to vector<1x32x128xf32>
    %stack3A_299 = vector.shape_cast %transpose3A_15 : vector<32x128xf32> to vector<1x32x128xf32>
    %stack3A_300 = vector.shape_cast %transpose3A_21 : vector<32x128xf32> to vector<1x32x128xf32>
    %stack3A_301 = vector.shape_cast %transpose3A_27 : vector<32x128xf32> to vector<1x32x128xf32>
    %stack3A_302 = vector.shape_cast %transpose3A_33 : vector<32x128xf32> to vector<1x32x128xf32>
    %stack3A_303 = vector.shape_cast %transpose3A_39 : vector<32x128xf32> to vector<1x32x128xf32>
    %stack3A_304 = vector.shape_cast %transpose3A_45 : vector<32x128xf32> to vector<1x32x128xf32>
    %stack3A_305 = vector.shape_cast %transpose3A_51 : vector<32x128xf32> to vector<1x32x128xf32>
    %stack3A_306 = vector.shape_cast %transpose3A_57 : vector<32x128xf32> to vector<1x32x128xf32>
    %stack3A_307 = vector.shape_cast %transpose3A_63 : vector<32x128xf32> to vector<1x32x128xf32>
    %stack3A_308 = vector.shape_cast %transpose3A_69 : vector<32x128xf32> to vector<1x32x128xf32>
    %stack3A_309 = vector.shape_cast %transpose3A_75 : vector<32x128xf32> to vector<1x32x128xf32>
    %stack3A_310 = vector.shape_cast %transpose3A_81 : vector<32x128xf32> to vector<1x32x128xf32>
    %stack3A_311 = vector.shape_cast %transpose3A_87 : vector<32x128xf32> to vector<1x32x128xf32>
    %stack3A_312 = vector.shape_cast %transpose3A_93 : vector<32x128xf32> to vector<1x32x128xf32>
    %stack3A_313 = vector.shape_cast %transpose3A_99 : vector<32x128xf32> to vector<1x32x128xf32>
    %stack3A_314 = vector.shape_cast %transpose3A_105 : vector<32x128xf32> to vector<1x32x128xf32>
    %stack3A_315 = vector.shape_cast %transpose3A_111 : vector<32x128xf32> to vector<1x32x128xf32>
    %stack3A_316 = vector.shape_cast %transpose3A_117 : vector<32x128xf32> to vector<1x32x128xf32>
    %stack3A_317 = vector.shape_cast %transpose3A_123 : vector<32x128xf32> to vector<1x32x128xf32>
    %stack3A_318 = vector.shape_cast %transpose3A_129 : vector<32x128xf32> to vector<1x32x128xf32>
    %stack3A_319 = vector.shape_cast %transpose3A_135 : vector<32x128xf32> to vector<1x32x128xf32>
    %stack3A_320 = vector.shape_cast %transpose3A_141 : vector<32x128xf32> to vector<1x32x128xf32>
    %stack3A_321 = vector.shape_cast %transpose3A_147 : vector<32x128xf32> to vector<1x32x128xf32>
    %stack3A_322 = vector.shape_cast %transpose3A_153 : vector<32x128xf32> to vector<1x32x128xf32>
    %stack3A_323 = vector.shape_cast %transpose3A_159 : vector<32x128xf32> to vector<1x32x128xf32>
    %stack3A_324 = vector.shape_cast %transpose3A_165 : vector<32x128xf32> to vector<1x32x128xf32>
    %stack3A_325 = vector.shape_cast %transpose3A_171 : vector<32x128xf32> to vector<1x32x128xf32>
    %stack3A_326 = vector.shape_cast %transpose3A_177 : vector<32x128xf32> to vector<1x32x128xf32>
    %stack3A_327 = vector.shape_cast %transpose3A_183 : vector<32x128xf32> to vector<1x32x128xf32>
    %stack3A_328 = vector.shape_cast %transpose3A_189 : vector<32x128xf32> to vector<1x32x128xf32>
    %stack3A_329 = vector.shape_cast %transpose3A_195 : vector<32x128xf32> to vector<1x32x128xf32>
    %stack3A_330 = vector.shape_cast %transpose3A_201 : vector<32x128xf32> to vector<1x32x128xf32>
    %stack3A_331 = vector.shape_cast %transpose3A_207 : vector<32x128xf32> to vector<1x32x128xf32>
    %stack3A_332 = vector.shape_cast %transpose3A_213 : vector<32x128xf32> to vector<1x32x128xf32>
    %stack3A_333 = vector.shape_cast %transpose3A_219 : vector<32x128xf32> to vector<1x32x128xf32>
    %stack3A_334 = vector.shape_cast %transpose3A_225 : vector<32x128xf32> to vector<1x32x128xf32>
    %stack3A_335 = vector.shape_cast %transpose3A_231 : vector<32x128xf32> to vector<1x32x128xf32>
    %stack3A_336 = vector.shape_cast %transpose3A_237 : vector<32x128xf32> to vector<1x32x128xf32>
    %stack3A_337 = vector.shape_cast %transpose3A_243 : vector<32x128xf32> to vector<1x32x128xf32>
    %stack3A_338 = vector.shape_cast %transpose3A_249 : vector<32x128xf32> to vector<1x32x128xf32>
    %stack3A_339 = vector.shape_cast %transpose3A_255 : vector<32x128xf32> to vector<1x32x128xf32>
    %stack3A_340 = vector.shape_cast %transpose3A_261 : vector<32x128xf32> to vector<1x32x128xf32>
    %stack3A_341 = vector.shape_cast %transpose3A_267 : vector<32x128xf32> to vector<1x32x128xf32>
    %stack3A_342 = vector.shape_cast %transpose3A_273 : vector<32x128xf32> to vector<1x32x128xf32>
    %stack3A_343 = vector.shape_cast %transpose3A_279 : vector<32x128xf32> to vector<1x32x128xf32>
    %stack3A_344 = vector.shape_cast %transpose3A_285 : vector<32x128xf32> to vector<1x32x128xf32>
    %stack3A_345 = vector.shape_cast %transpose3A_291 : vector<32x128xf32> to vector<1x32x128xf32>
    %stack3A_346 = vector.shape_cast %transpose3A_297 : vector<32x128xf32> to vector<1x32x128xf32>
    %stack3A_347 = tpu.concatenate %stack3A, %stack3A_298, %stack3A_299, %stack3A_300, %stack3A_301, %stack3A_302, %stack3A_303, %stack3A_304, %stack3A_305, %stack3A_306, %stack3A_307, %stack3A_308, %stack3A_309, %stack3A_310, %stack3A_311, %stack3A_312, %stack3A_313, %stack3A_314, %stack3A_315, %stack3A_316, %stack3A_317, %stack3A_318, %stack3A_319, %stack3A_320, %stack3A_321, %stack3A_322, %stack3A_323, %stack3A_324, %stack3A_325, %stack3A_326, %stack3A_327, %stack3A_328, %stack3A_329, %stack3A_330, %stack3A_331, %stack3A_332, %stack3A_333, %stack3A_334, %stack3A_335, %stack3A_336, %stack3A_337, %stack3A_338, %stack3A_339, %stack3A_340, %stack3A_341, %stack3A_342, %stack3A_343, %stack3A_344, %stack3A_345, %stack3A_346 in 0 : vector<1x32x128xf32>, vector<1x32x128xf32>, vector<1x32x128xf32>, vector<1x32x128xf32>, vector<1x32x128xf32>, vector<1x32x128xf32>, vector<1x32x128xf32>, vector<1x32x128xf32>, vector<1x32x128xf32>, vector<1x32x128xf32>, vector<1x32x128xf32>, vector<1x32x128xf32>, vector<1x32x128xf32>, vector<1x32x128xf32>, vector<1x32x128xf32>, vector<1x32x128xf32>, vector<1x32x128xf32>, vector<1x32x128xf32>, vector<1x32x128xf32>, vector<1x32x128xf32>, vector<1x32x128xf32>, vector<1x32x128xf32>, vector<1x32x128xf32>, vector<1x32x128xf32>, vector<1x32x128xf32>, vector<1x32x128xf32>, vector<1x32x128xf32>, vector<1x32x128xf32>, vector<1x32x128xf32>, vector<1x32x128xf32>, vector<1x32x128xf32>, vector<1x32x128xf32>, vector<1x32x128xf32>, vector<1x32x128xf32>, vector<1x32x128xf32>, vector<1x32x128xf32>, vector<1x32x128xf32>, vector<1x32x128xf32>, vector<1x32x128xf32>, vector<1x32x128xf32>, vector<1x32x128xf32>, vector<1x32x128xf32>, vector<1x32x128xf32>, vector<1x32x128xf32>, vector<1x32x128xf32>, vector<1x32x128xf32>, vector<1x32x128xf32>, vector<1x32x128xf32>, vector<1x32x128xf32>, vector<1x32x128xf32> -> vector<50x32x128xf32>
    %get3A_348 = arith.constant 0 : index
    %get3A_349 = arith.constant 0 : index
    %get3A_350 = vector.load %arg2[%get3A_348, %get3A_349] : memref<128x32xf32, #tpu.memory_space<vmem>>, vector<128x32xf32>
    %transpose3A_351 = tpu.transpose %get3A_350, [1, 0] : vector<128x32xf32> -> vector<32x128xf32>
    %get3A_352 = arith.constant 0 : index
    %get3A_353 = arith.constant 0 : index
    %get3A_354 = vector.load %arg3[%get3A_352, %get3A_353] : memref<32x32xf32, #tpu.memory_space<vmem>>, vector<32x32xf32>
    %get3A_355 = arith.constant 0 : index
    %get3A_356 = arith.constant 0 : index
    %get3A_357 = vector.load %arg4[%get3A_355, %get3A_356] : memref<32x1xf32, #tpu.memory_space<vmem>>, vector<32x1xf32>
    %broadcast_in_dim3A = vector.shape_cast %transpose3A_351 : vector<32x128xf32> to vector<1x32x128xf32>
    %mul3A = vector.broadcast %broadcast_in_dim3A : vector<1x32x128xf32> to vector<50x32x128xf32>
    %mul3A_358 = arith.mulf %stack3A_347, %mul3A : vector<50x32x128xf32>
    %reduce_sum3A = arith.constant dense<0.000000e+00> : vector<50x128xf32>
    %reduce_sum3A_359 = vector.multi_reduction <add>, %mul3A_358, %reduce_sum3A [1] : vector<50x32x128xf32> to vector<50x128xf32>
    %reduce_max3A = arith.constant dense<0xFF800000> : vector<128xf32>
    %reduce_max3A_360 = vector.multi_reduction <maximumf>, %reduce_sum3A_359, %reduce_max3A [0] : vector<50x128xf32> to vector<128xf32>
    %broadcast_in_dim3A_361 = vector.shape_cast %reduce_max3A_360 : vector<128xf32> to vector<1x128xf32>
    %sub3A = vector.broadcast %broadcast_in_dim3A_361 : vector<1x128xf32> to vector<50x128xf32>
    %sub3A_362 = arith.subf %reduce_sum3A_359, %sub3A : vector<50x128xf32>
    %exp3A = math.exp %sub3A_362 : vector<50x128xf32>
    %reduce_sum3A_363 = arith.constant dense<0.000000e+00> : vector<128xf32>
    %reduce_sum3A_364 = vector.multi_reduction <add>, %exp3A, %reduce_sum3A_363 [0] : vector<50x128xf32> to vector<128xf32>
    %broadcast_in_dim3A_365 = vector.shape_cast %reduce_sum3A_364 : vector<128xf32> to vector<1x128xf32>
    %div3A = vector.broadcast %broadcast_in_dim3A_365 : vector<1x128xf32> to vector<50x128xf32>
    %div3A_366 = arith.divf %exp3A, %div3A : vector<50x128xf32>
    %broadcast_in_dim3A_367 = vector.shape_cast %div3A_366 : vector<50x128xf32> to vector<50x1x128xf32>
    %mul3A_368 = vector.broadcast %broadcast_in_dim3A_367 : vector<50x1x128xf32> to vector<50x32x128xf32>
    %mul3A_369 = arith.mulf %mul3A_368, %stack3A_347 : vector<50x32x128xf32>
    %reduce_sum3A_370 = arith.constant dense<0.000000e+00> : vector<32x128xf32>
    %reduce_sum3A_371 = vector.multi_reduction <add>, %mul3A_369, %reduce_sum3A_370 [0] : vector<50x32x128xf32> to vector<32x128xf32>
    %dot_general3A = arith.constant dense<0.000000e+00> : vector<32x128xf32>
    %dot_general3A_372 = tpu.matmul %get3A_354, %transpose3A_351, %dot_general3A {dimension_numbers = #tpu.dot_dimension_numbers<[1], [0], [0], [1], [0, 0, 1, 1], [], []>, transpose_lhs_hint = false} : vector<32x32xf32>, vector<32x128xf32>, vector<32x128xf32> -> vector<32x128xf32>
    %add3A = vector.broadcast %get3A_357 : vector<32x1xf32> to vector<32x128xf32>
    %add3A_373 = arith.addf %dot_general3A_372, %add3A : vector<32x128xf32>
    %add3A_374 = arith.addf %add3A_373, %reduce_sum3A_371 : vector<32x128xf32>
    %broadcast_in_dim3A_375 = vector.shape_cast %add3A_374 : vector<32x128xf32> to vector<1x32x128xf32>
    %mul3A_376 = vector.broadcast %broadcast_in_dim3A_375 : vector<1x32x128xf32> to vector<50x32x128xf32>
    %mul3A_377 = arith.mulf %stack3A_347, %mul3A_376 : vector<50x32x128xf32>
    %reduce_sum3A_378 = arith.constant dense<0.000000e+00> : vector<50x128xf32>
    %reduce_sum3A_379 = vector.multi_reduction <add>, %mul3A_377, %reduce_sum3A_378 [1] : vector<50x32x128xf32> to vector<50x128xf32>
    %reduce_max3A_380 = arith.constant dense<0xFF800000> : vector<128xf32>
    %reduce_max3A_381 = vector.multi_reduction <maximumf>, %reduce_sum3A_379, %reduce_max3A_380 [0] : vector<50x128xf32> to vector<128xf32>
    %broadcast_in_dim3A_382 = vector.shape_cast %reduce_max3A_381 : vector<128xf32> to vector<1x128xf32>
    %sub3A_383 = vector.broadcast %broadcast_in_dim3A_382 : vector<1x128xf32> to vector<50x128xf32>
    %sub3A_384 = arith.subf %reduce_sum3A_379, %sub3A_383 : vector<50x128xf32>
    %exp3A_385 = math.exp %sub3A_384 : vector<50x128xf32>
    %reduce_sum3A_386 = arith.constant dense<0.000000e+00> : vector<128xf32>
    %reduce_sum3A_387 = vector.multi_reduction <add>, %exp3A_385, %reduce_sum3A_386 [0] : vector<50x128xf32> to vector<128xf32>
    %broadcast_in_dim3A_388 = vector.shape_cast %reduce_sum3A_387 : vector<128xf32> to vector<1x128xf32>
    %div3A_389 = vector.broadcast %broadcast_in_dim3A_388 : vector<1x128xf32> to vector<50x128xf32>
    %div3A_390 = arith.divf %exp3A_385, %div3A_389 : vector<50x128xf32>
    %broadcast_in_dim3A_391 = vector.shape_cast %div3A_390 : vector<50x128xf32> to vector<50x1x128xf32>
    %mul3A_392 = vector.broadcast %broadcast_in_dim3A_391 : vector<50x1x128xf32> to vector<50x32x128xf32>
    %mul3A_393 = arith.mulf %mul3A_392, %stack3A_347 : vector<50x32x128xf32>
    %reduce_sum3A_394 = arith.constant dense<0.000000e+00> : vector<32x128xf32>
    %reduce_sum3A_395 = vector.multi_reduction <add>, %mul3A_393, %reduce_sum3A_394 [0] : vector<50x32x128xf32> to vector<32x128xf32>
    %dot_general3A_396 = arith.constant dense<0.000000e+00> : vector<32x128xf32>
    %dot_general3A_397 = tpu.matmul %get3A_354, %add3A_374, %dot_general3A_396 {dimension_numbers = #tpu.dot_dimension_numbers<[1], [0], [0], [1], [0, 0, 1, 1], [], []>, transpose_lhs_hint = false} : vector<32x32xf32>, vector<32x128xf32>, vector<32x128xf32> -> vector<32x128xf32>
    %add3A_398 = vector.broadcast %get3A_357 : vector<32x1xf32> to vector<32x128xf32>
    %add3A_399 = arith.addf %dot_general3A_397, %add3A_398 : vector<32x128xf32>
    %add3A_400 = arith.addf %add3A_399, %reduce_sum3A_395 : vector<32x128xf32>
    %broadcast_in_dim3A_401 = vector.shape_cast %add3A_400 : vector<32x128xf32> to vector<1x32x128xf32>
    %mul3A_402 = vector.broadcast %broadcast_in_dim3A_401 : vector<1x32x128xf32> to vector<50x32x128xf32>
    %mul3A_403 = arith.mulf %stack3A_347, %mul3A_402 : vector<50x32x128xf32>
    %reduce_sum3A_404 = arith.constant dense<0.000000e+00> : vector<50x128xf32>
    %reduce_sum3A_405 = vector.multi_reduction <add>, %mul3A_403, %reduce_sum3A_404 [1] : vector<50x32x128xf32> to vector<50x128xf32>
    %reduce_max3A_406 = arith.constant dense<0xFF800000> : vector<128xf32>
    %reduce_max3A_407 = vector.multi_reduction <maximumf>, %reduce_sum3A_405, %reduce_max3A_406 [0] : vector<50x128xf32> to vector<128xf32>
    %broadcast_in_dim3A_408 = vector.shape_cast %reduce_max3A_407 : vector<128xf32> to vector<1x128xf32>
    %sub3A_409 = vector.broadcast %broadcast_in_dim3A_408 : vector<1x128xf32> to vector<50x128xf32>
    %sub3A_410 = arith.subf %reduce_sum3A_405, %sub3A_409 : vector<50x128xf32>
    %exp3A_411 = math.exp %sub3A_410 : vector<50x128xf32>
    %reduce_sum3A_412 = arith.constant dense<0.000000e+00> : vector<128xf32>
    %reduce_sum3A_413 = vector.multi_reduction <add>, %exp3A_411, %reduce_sum3A_412 [0] : vector<50x128xf32> to vector<128xf32>
    %broadcast_in_dim3A_414 = vector.shape_cast %reduce_sum3A_413 : vector<128xf32> to vector<1x128xf32>
    %div3A_415 = vector.broadcast %broadcast_in_dim3A_414 : vector<1x128xf32> to vector<50x128xf32>
    %div3A_416 = arith.divf %exp3A_411, %div3A_415 : vector<50x128xf32>
    %broadcast_in_dim3A_417 = vector.shape_cast %div3A_416 : vector<50x128xf32> to vector<50x1x128xf32>
    %mul3A_418 = vector.broadcast %broadcast_in_dim3A_417 : vector<50x1x128xf32> to vector<50x32x128xf32>
    %mul3A_419 = arith.mulf %mul3A_418, %stack3A_347 : vector<50x32x128xf32>
    %reduce_sum3A_420 = arith.constant dense<0.000000e+00> : vector<32x128xf32>
    %reduce_sum3A_421 = vector.multi_reduction <add>, %mul3A_419, %reduce_sum3A_420 [0] : vector<50x32x128xf32> to vector<32x128xf32>
    %dot_general3A_422 = arith.constant dense<0.000000e+00> : vector<32x128xf32>
    %dot_general3A_423 = tpu.matmul %get3A_354, %add3A_400, %dot_general3A_422 {dimension_numbers = #tpu.dot_dimension_numbers<[1], [0], [0], [1], [0, 0, 1, 1], [], []>, transpose_lhs_hint = false} : vector<32x32xf32>, vector<32x128xf32>, vector<32x128xf32> -> vector<32x128xf32>
    %add3A_424 = vector.broadcast %get3A_357 : vector<32x1xf32> to vector<32x128xf32>
    %add3A_425 = arith.addf %dot_general3A_423, %add3A_424 : vector<32x128xf32>
    %add3A_426 = arith.addf %add3A_425, %reduce_sum3A_421 : vector<32x128xf32>
    %transpose3A_427 = tpu.transpose %add3A_426, [1, 0] : vector<32x128xf32> -> vector<128x32xf32>
    %swap3A = arith.constant 0 : index
    %swap3A_428 = arith.constant 0 : index
    %swap3A_429 = vector.load %arg5[%swap3A, %swap3A_428] : memref<128x32xf32, #tpu.memory_space<vmem>>, vector<128x32xf32>
    tpu.vector_store %arg5[%swap3A, %swap3A_428], %transpose3A_427 {strides = array<i32>} : memref<128x32xf32, #tpu.memory_space<vmem>>, vector<128x32xf32>,
    return
  }
  func.func @transform_0(%arg0: i32) -> (i32, i32, i32) {
    %c0_i32 = arith.constant 0 : i32
    %c0_i32_0 = arith.constant 0 : i32
    %c0_i32_1 = arith.constant 0 : i32
    return %arg0, %c0_i32, %c0_i32_0 : i32, i32, i32
  }
  func.func @transform_1(%arg0: i32) -> (i32, i32) {
    %c0_i32 = arith.constant 0 : i32
    %c0_i32_0 = arith.constant 0 : i32
    return %arg0, %c0_i32 : i32, i32
  }
  func.func @transform_2(%arg0: i32) -> (i32, i32) {
    %c0_i32 = arith.constant 0 : i32
    %c0_i32_0 = arith.constant 0 : i32
    %c0_i32_1 = arith.constant 0 : i32
    return %c0_i32, %c0_i32_0 : i32, i32
  }
  func.func @transform_3(%arg0: i32) -> (i32, i32) {
    %c0_i32 = arith.constant 0 : i32
    %c0_i32_0 = arith.constant 0 : i32
    %c0_i32_1 = arith.constant 0 : i32
    return %c0_i32, %c0_i32_0 : i32, i32
  }
  func.func @transform_4(%arg0: i32) -> (i32, i32) {
    %c0_i32 = arith.constant 0 : i32
    %c0_i32_0 = arith.constant 0 : i32
    return %arg0, %c0_i32 : i32, i32
  }
}

</mosaic_0001>

<sc_bundles>
// kernel: kernel.4.cloned.1.call-start
scs
__scs_entry_jumppad:
0x0: {  	(pc) =	sbr.rel $0x88, $3  }
0x1: {  	(tag) =	ssettag $0x0;
	lr =	simm.s32 $0x1  }
0x2: {  	[smem:$0x3F9C] =	sst lr;
	_ =	strace $0xD0000000  }
0x3: {  	_ = 	snop  }
0x4: {  	_ = 	snop  }
0x5: {  	_ = 	snop  }
0x6: {  	_ = 	snop  }
0x7: {  	_ = 	snop  }
__scs_overlays_trampoline_lowered:
0x8: {  	[smem:$0x3FAB] =	sst s0  }
0x9: {  	[smem:$0x3FAC] =	sst s1  }
0xa: {  	[smem:$0x3FAD] =	sst s2  }
0xb: {  	[smem:$0x3FAE] =	sst s3  }
0xc: {  	[smem:$0x3FAF] =	sst s4  }
0xd: {  	[smem:$0x3FB0] =	sst s5  }
0xe: {  	[smem:$0x3FB1] =	sst s6  }
0xf: {  	[smem:$0x3FB2] =	sst s7  }
0x10: {  	[smem:$0x3FB3] =	sst s8  }
0x11: {  	[smem:$0x3FB4] =	sst s9;
	s0 =	simm.s32 @!p0 $0x0  }
0x12: {  	s1 =	sld [smem:$0x3F9A];
	s0 =	simm.s32 @p0 $0x1  }
0x13: {  	[smem:$0x3FB5] =	sst s0;
	s0 =	simm.s32 @!p1 $0x0  }
0x14: {  	s2 =	sld [smem:$0x3F99];
	s0 =	simm.s32 @p1 $0x1  }
0x15: {  	[smem:$0x3FB6] =	sst s0;
	s0 =	simm.s32 @!p2 $0x0  }
0x16: {  	s3 =	sld [smem:$0x3FDB];
	s0 =	simm.s32 @p2 $0x1  }
0x17: {  	s4 =	simm.s32 $0x1BF5;
	[smem:$0x3FB8] =	sst s0  }
0x18: {  	s0 =	sld [smem:$0x3F9B];
	_ =	swait.ge [sflag:s4], $0x0  }
0x19: {  	s7 =	sld [smem:$0x3F9C]  }
0x1a: {  	s8 =	sadd.s32 $0xFFFFE003, lr  }
0x1b: {  	s9 =	sadd.s32 $0xFFFFFEF7, lr;
	s5 =	simm.s32 $0xFFFFFFFF;
	p2 =	slt.u32 s8, $0xFFFFF086  }
0x1c: {  	p1 =	slt.u32 s9, $0xF7A;
	s5 =	simm.s32 @!p2 $0x0  }
0x1d: {  	s5 =	simm.s32 @p1 $0x1;
	p0 =	seq.s32 s7, s2  }
0x1e: {  	s7 =	smul.u32 @!p0 $0xF7A, s2;
	p2 =	seq.s32 @!p0 s5, $0x0  }
0x1f: {  	s9 =	smul.u32 $0xF7A, s1;
	s8 =	simm.s32 @!p0 $0x1BF5;
	p2 =	por !p2, p0  }
0x20: {  	[sflag:s8] =	ssyncset.s32 @!p0 $0xFFFFF086;
	s6 =	sadd.s32 @!p0 s3, s7;
	s7 =	simm.s32 @!p0 $0x108  }
0x21: {  	s3 =	sadd.s32 s3, s9;
	s6 =	sadd.s32 @!p0 $0x88, s6;
	s7 =	simm.s32 @p2 $0x1082  }
0x22: {  	[simem:s7], [sflag:s8] =	dma.local @!p0 [hbm:s6], $0xF7A  }
0x23: {  	s9 =	sor.u32 $0xD0000000, s2;
	s6 =	simm.s32 $0x108;
	_ =	swait.ge @!p0 [sflag:s8], $0x0  }
0x24: {  	s3 =	sadd.s32 $0x88, s3;
	s6 =	simm.s32 @!p1 $0x1082;
	[sflag:s4] =	ssyncset.s32 $0xFFFFF086  }
0x25: {  	[simem:s6], [sflag:s4] =	dma.local [hbm:s3], $0xF7A  }
0x26: {  	[smem:$0x3F9C] =	sst s1;
	(tag) =	ssettag s2;
	_ =	strace s9  }
0x27: {  	s1 =	sld [smem:$0x3FAC]  }
0x28: {  	s2 =	sld [smem:$0x3FAD]  }
0x29: {  	s4 =	sld [smem:$0x3FAF]  }
0x2a: {  	p0 =	seq.s32 s5, $0x0;
	s5 =	sld [smem:$0x3FB0]  }
0x2b: {  	s6 =	sld [smem:$0x3FB1]  }
0x2c: {  	s7 =	sld [smem:$0x3FB2]  }
0x2d: {  	s3 =	simm.s32 $0x108;
	s8 =	sld [smem:$0x3FB3]  }
0x2e: {  	s3 =	simm.s32 @!p0 $0x1082;
	s9 =	sld [smem:$0x3FB4]  }
0x2f: {  	lr =	sadd.s32 s0, s3;
	s0 =	sld [smem:$0x3FAB]  }
0x30: {  	s3 =	sld [smem:$0x3FAE]  }
0x31: {  	[smem:$0x3FB7] =	sst s10  }
0x32: {  	s10 =	sld [smem:$0x3FB5];
	_ =	sdelay $0x3  }
0x33: {  	p0 =	seq.s32 s10, $0x1;
	s10 =	sld [smem:$0x3FB7];
	_ =	sdelay $0x3  }
0x34: {  	[smem:$0x3FB7] =	sst s10  }
0x35: {  	s10 =	sld [smem:$0x3FB6];
	_ =	sdelay $0x3  }
0x36: {  	p1 =	seq.s32 s10, $0x1;
	s10 =	sld [smem:$0x3FB7];
	_ =	sdelay $0x3  }
0x37: {  	[smem:$0x3FB7] =	sst s10  }
0x38: {  	s10 =	sld [smem:$0x3FB8]  }
0x39: {  	_ = 	snop;
	(pc) =	sbr.ind lr, $3  }
0x3a: {  	_ = 	snop  }
0x3b: {  	_ = 	snop  }
0x3c: {  	p2 =	seq.s32 s10, $0x1;
	s10 =	sld [smem:$0x3FB7]  }
0x3d: {  	_ =	shalt  }
0x3e: {  	_ =	shalt  }
0x3f: {  	_ =	shalt  }
0x40: {  	_ =	shalt  }
0x41: {  	_ =	shalt  }
0x42: {  	_ =	shalt  }
0x43: {  	_ =	shalt  }
0x44: {  	_ =	shalt  }
0x45: {  	_ =	shalt  }
0x46: {  	_ =	shalt  }
0x47: {  	_ =	shalt  }
0x48: {  	_ =	shalt  }
0x49: {  	_ =	shalt  }
0x4a: {  	_ =	shalt  }
0x4b: {  	_ =	shalt  }
0x4c: {  	_ =	shalt  }
0x4d: {  	_ =	shalt  }
0x4e: {  	_ =	shalt  }
0x4f: {  	_ =	shalt  }
0x50: {  	_ =	shalt  }
0x51: {  	_ =	shalt  }
0x52: {  	_ =	shalt  }
0x53: {  	_ =	shalt  }
0x54: {  	_ =	shalt  }
0x55: {  	_ =	shalt  }
0x56: {  	_ =	shalt  }
0x57: {  	_ =	shalt  }
0x58: {  	_ =	shalt  }
0x59: {  	_ =	shalt  }
0x5a: {  	_ =	shalt  }
0x5b: {  	_ =	shalt  }
0x5c: {  	_ =	shalt  }
0x5d: {  	_ =	shalt  }
0x5e: {  	_ =	shalt  }
0x5f: {  	_ =	shalt  }
0x60: {  	_ =	shalt  }
0x61: {  	_ =	shalt  }
0x62: {  	_ =	shalt  }
0x63: {  	_ =	shalt  }
0x64: {  	_ =	shalt  }
0x65: {  	_ =	shalt  }
0x66: {  	_ =	shalt  }
0x67: {  	_ =	shalt  }
0x68: {  	_ =	shalt  }
0x69: {  	_ =	shalt  }
0x6a: {  	_ =	shalt  }
0x6b: {  	_ =	shalt  }
0x6c: {  	_ =	shalt  }
0x6d: {  	_ =	shalt  }
0x6e: {  	_ =	shalt  }
0x6f: {  	_ =	shalt  }
0x70: {  	_ =	shalt  }
0x71: {  	_ =	shalt  }
0x72: {  	_ =	shalt  }
0x73: {  	_ =	shalt  }
0x74: {  	_ =	shalt  }
0x75: {  	_ =	shalt  }
0x76: {  	_ =	shalt  }
0x77: {  	_ =	shalt  }
0x78: {  	_ =	shalt  }
0x79: {  	_ =	shalt  }
0x7a: {  	_ =	shalt  }
0x7b: {  	_ =	shalt  }
0x7c: {  	_ =	shalt  }
0x7d: {  	_ =	shalt  }
0x7e: {  	_ =	shalt  }
0x7f: {  	_ =	shalt  }
0x80: {  	_ =	shalt  }
0x81: {  	_ =	shalt  }
0x82: {  	_ =	shalt  }
0x83: {  	_ =	shalt  }
0x84: {  	_ =	shalt  }
0x85: {  	_ =	shalt  }
0x86: {  	_ =	shalt  }
0x87: {  	_ =	shalt  }
.Lfunc_end0:
.L_simem_size_0:
called_computation_lowered:
.L_overlay_start_0:
0x88: {  	s2 =	sld [smem:$0x3FD9]  }
0x89: {  	s3 =	sld [smem:$0x3FFE];
	_ =	sdelay $0x1  }
0x8a: {  	s1 =	srdreg.scid  }
0x8b: {  	s0 =	sand.u32 $0x1, s1  }
0x8c: {  	s17 =	sshll.u32 s0, $0xA;
	s2 =	sadd.s32 s3, s2  }
0x8d: {  	s2 =	sadd.s32 s2, s17  }
0x8e: {  	[smem:$0x3FC3] =	sst s2  }
0x8f: {  	_ = 	snop  }
0x90: {  	s2 =	sld [smem:$0x3FD0];
	(tm) =	ssettm $0x1  }
0x91: {  	s18 =	sld [smem:$0x3FFB];
	_ =	sdelay $0x3  }
0x92: {  	_ =	strace s18  }
0x93: {  	s3 =	sld [smem:$0x3FFC];
	_ =	sdelay $0x3  }
0x94: {  	_ =	strace s3  }
0x95: {  	s3 =	sld [smem:$0x3FFD];
	_ =	sdelay $0x3  }
0x96: {  	_ =	strace s3  }
0x97: {  	_ =	strace $0x8FFFFFFF  }
0x98: {  	s19 =	sld [smem:$0x3FDB];
	_ =	sdelay $0x1  }
0x99: {  	s4 =	simm.s32 $_scs_section_size  }
0x9a: {  	s5 =	simm.s32 $_size__tile_overlayer_lowered;
	s6 =	simm.s32 $_tile_overlayer_lowered  }
0x9b: {  	s22 =	simm.s32 $0x1BFF;
	s21 =	sshll.u32 s6, $0x1;
	s3 =	sadd.s32 s4, s19  }
0x9c: {  	s7 =	simm.s32 $0x0;
	s20 =	sshll.u32 s5, $0x1;
	s5 =	sadd.s32 s21, s3  }
0x9d: {  	[timem:s7], [sflag:s22] =	dma.local [hbm:s5], s20  }
0x9e: {  	_ =	swait.ge [sflag:s22], s20  }
0x9f: {  	s4 =	ssub.s32 $0x0, s20;
	[sflag:s22] =	ssyncset.done $0x0  }
0xa0: {  	[sflag:s22] =	ssyncadd.s32 s4;
	_ =	sdelay $0x1  }
0xa1: {  	s23 =	simm.s32 $0x1B8B  }
0xa2: {  	_ =	swait.ge [sflag:s23], $0x1  }
0xa3: {  	[sflag:s23] =	ssyncset.done $0x0  }
0xa4: {  	s25 =	simm.s32 $0x1B8E;
	s24 =	sld [smem:$0x3FFE];
	[sflag:s23] =	ssyncadd.s32 $0xFFFFFFFF  }
0xa5: {  	s26 =	simm.s32 $execute0_lowered;
	[smem:$0x3FD2] =	sst s25  }
0xa6: {  	s5 =	sshll.u32 s26, $0x1;
	_ =	strace $0x80000046;
	[dreg:$0x1] =	wrdreg $0xFFFFFFFF  }
0xa7: {  	s28 =	simm.s32 $_size_execute0_lowered;
	s3 =	sadd.s32 s3, s5;
	[dreg:$0x0] =	wrdreg $0x0  }
0xa8: {  	s5 =	sshll.u32 s28, $0x1;
	[dreg:$0x2] =	wrdreg s3  }
0xa9: {  	[dreg:$0x3] =	wrdreg s5  }
0xaa: {  	[dreg:$0x4] =	wrdreg $0xC0  }
0xab: {  	_ =	task [dreg:s7], $0x5FFFF  }
0xac: {  	[dreg:$0x1] =	wrdreg $0xFFFFFFFF  }
0xad: {  	[dreg:$0x0] =	wrdreg $0x60  }
0xae: {  	[dreg:$0x2] =	wrdreg s24  }
0xaf: {  	[dreg:$0x3] =	wrdreg s2  }
0xb0: {  	[dreg:$0x4] =	wrdreg $0x9  }
0xb1: {  	_ =	task.clear_ibuf [dreg:s7], $0x5FFFF;
	_ =	strace $0x90000046  }
0xb2: {  	s29 =	simm.s32 $0x9;
	_ =	strace $0x80000048  }
0xb3: {  	_ =	swait.ge [sflag:s29], $0x1  }
0xb4: {  	[sflag:s29] =	ssyncadd.s32 $0xFFFFFFFF  }
0xb5: {  	_ =	strace $0x90000048  }
0xb6: {  	_ =	sfence  }
0xb7: {  	s30 =	sld [smem:$0x0];
	_ =	sdelay $0x2  }
0xb8: {  	s31 =	sshll.u32 s1, $0xD;
	s1 =	sshrl.u32 s1, $0x2  }
0xb9: {  	s3 =	sand.u32 $0x4000, s31;
	s1 =	sadd.s32 s1, s30  }
0xba: {  	s0 =	sor.u32 s3, s0;
	s1 =	sshll.u32 s1, $0x11  }
0xbb: {  	s0 =	sor.u32 s1, s0  }
0xbc: {  	s0 =	sadd.s32 $0x8F2B, s0  }
0xbd: {  	[sflag:s0] =	ssyncadd.remote.s32 $0x1  }
0xbe: {  	_ =	sfence.sel $0xFFFF  }
0xbf: {  	[dreg:$0x0] =	wrdreg $0xFFFFFFFF;
	(pc) =	sbr.abs _section_cstart, $3  }
0xc0: {  	[dreg:$0x1] =	wrdreg $0xFFFFFFFF  }
0xc1: {  	_ =	task.clear_ibuf [dreg:s7], $0x2FFFF;
	_ =	strace $0x9FFFFFFF  }
0xc2: {  	(tm) =	ssettm $0x7FFFFFFF  }
0xc3: {  	_ =	shalt  }
tec
execute0_lowered:
.L_overlay_start_1:
0x0: {  	(tag) =	ssettag $0x1  }
0x1: {  	s1 =	srdreg.scid;
	s5 =	rddreg [dreg:$0x0]  }
0x2: {  	s0 =	stileid.u32;
	s9 =	rddreg [dreg:$0x1]  }
0x3: {  	s13 =	simm.s32 $0x1;
	s14 =	simm.s32 $0x80;
	s15 =	simm.s32 $0x500  }
0x4: {  	s16 =	simm.s32 $0xD00;
	s17 =	simm.s32 $0x100;
	s18 =	simm.s32 $0x1500  }
0x5: {  	s19 =	simm.s32 $0x180;
	s20 =	simm.s32 $0x1D00;
	s21 =	simm.s32 $0x200  }
0x6: {  	s22 =	simm.s32 $0x2500;
	s23 =	simm.s32 $0x2;
	s24 =	simm.s32 $0x11D00  }
0x7: {  	s25 =	simm.s32 $0x3;
	s1 =	sand.u32 $0x1, s1;
	s2 =	sshll.u32 s0, $0x1  }
0x8: {  	s26 =	simm.s32 $0x0;
	s6 =	smul.u32 $0x3200, s0;
	s10 =	sor.u32 s1, s2  }
0x9: {  	s2 =	simm.s32 $0x0;
	s30 =	ssub.s32 $0x2, s1;
	s1 =	smul.u32 $0x1900, s1  }
0xa: {  	s3 =	sadd.s32 $0xE00, s5;
	s4 =	smul.u32 $0x50, s10;
	[smem:$0x7FF] =	sst s2  }
0xb: {  	s8 =	smul.u32 $0x7D00, s10;
	s11 =	sadd.s32 s6, s5;
	s12 =	sshrl.u32 s30, $0x1  }
0xc: {  	s10 =	sshll.u32 s10, $0x7;
	_ =	strace $0x80000047;
	s12 =	ssub.s32 s30, s12  }
0xd: {  	s1 =	sadd.s32 s1, s11;
	s9 =	sadd.s32 s9, s10;
	s7 =	sadd.s32 s4, s5  }
0xe: {  	s4 =	sadd.s32 $0x187800, s5;
	s31 =	sshrl.u32 s8, $0x3;
	s8 =	sadd.s32 $0x500, s8  }
0xf: {  	s10 =	smax.u32 s12, $0x1;
	s11 =	sadd.s32 $0x20C00, s1;
	s5 =	sadd.s32 s3, s31  }
0x10: {  	s12 =	simm.s32 $0x280;
	s7 =	sadd.s32 $0x20200, s7;
	s6 =	sadd.s32 $0x50, s5  }
.LBB2_1:
0x11: {  	[tilespmem:s2], [sflag:$0x1] =	stream.linear.gather [hbm4b:s5+s2], $0x280, $0x38;
	[tilespmem:$0x12100] =	vst v63  }
0x12: {  	_ = 	snop  }
0x13: {  	[tilespmem:s12], [sflag:$0x1] =	stream.linear.gather [hbm4b:s6+s2], $0x280, $0x38;
	[tilespmem:$0x12100] =	vst v63  }
0x14: {  	_ =	swait.ge [sflag:s13], $0x280  }
0x15: {  	[sflag:s13] =	ssyncset.done $0x0  }
0x16: {  	[sflag:s13] =	ssyncadd.s32 $0xFFFFFD80  }
0x17: {  	[tilespmem:s15], [sflag:$0x2] =	stream.indirect.gather [hbm4b:s4+s14], $0x10, s2, s14, $0xb8;
	[tilespmem:$0x12100] =	vst v63  }
0x18: {  	_ = 	snop  }
0x19: {  	[tilespmem:s16], [sflag:$0x2] =	stream.indirect.gather [hbm4b:s4+s14], $0x10, s14, s14, $0xb8;
	[tilespmem:$0x12100] =	vst v63  }
0x1a: {  	_ = 	snop  }
0x1b: {  	[tilespmem:s18], [sflag:$0x2] =	stream.indirect.gather [hbm4b:s4+s14], $0x10, s17, s14, $0xb8;
	[tilespmem:$0x12100] =	vst v63  }
0x1c: {  	_ = 	snop  }
0x1d: {  	[tilespmem:s20], [sflag:$0x2] =	stream.indirect.gather [hbm4b:s4+s14], $0x10, s19, s14, $0xb8;
	[tilespmem:$0x12100] =	vst v63  }
0x1e: {  	s28 =	simm.s32 $0x5510;
	s29 =	simm.s32 $0x0  }
0x1f: {  	[tilespmem:s22], [sflag:$0x2] =	stream.indirect.gather [hbm4b:s4+s14], $0x10, s21, s14, $0xb8;
	[tilespmem:$0x12100] =	vst v63  }
.LBB2_3:
0x20: {  	s1 =	smov.u32 s29;
	s29 =	sadd.s32 $0x1, s29  }
0x21: {  	s30 =	smin.u32 s29, $0x32  }
0x22: {  	s30 =	sand.u32 $0x1, s30  }
0x23: {  	s31 =	smul.u32 $0xA000, s30  }
0x24: {  	_ =	swait.ge [sflag:s13], $0x280  }
0x25: {  	[sflag:s13] =	ssyncset.done $0x0;
	s30 =	smul.u32 $0x280, s30;
	s31 =	sshrl.u32 s31, $0x2  }
0x26: {  	[sflag:s13] =	ssyncadd.s32 $0xFFFFFD80;
	s31 =	sor.u32 $0x500, s31  }
0x27: {  	[tilespmem:s31], [sflag:$0x2] =	stream.indirect.gather [hbm4b:s4+s14], $0x10, s30, s14, $0xb8;
	[tilespmem:$0x12100] =	vst v63  }
0x28: {  	s31 =	sadd.s32 $0x80, s30  }
0x29: {  	s0 =	sshll.u32 s31, $0x4  }
0x2a: {  	s0 =	sor.u32 $0x500, s0  }
0x2b: {  	[tilespmem:s0], [sflag:$0x2] =	stream.indirect.gather [hbm4b:s4+s14], $0x10, s31, s14, $0xb8;
	[tilespmem:$0x12100] =	vst v63  }
0x2c: {  	s0 =	sadd.s32 $0x100, s30  }
0x2d: {  	s31 =	sshll.u32 s0, $0x4  }
0x2e: {  	s31 =	sor.u32 $0x500, s31  }
0x2f: {  	[tilespmem:s31], [sflag:$0x2] =	stream.indirect.gather [hbm4b:s4+s14], $0x10, s0, s14, $0xb8;
	[tilespmem:$0x12100] =	vst v63  }
0x30: {  	s0 =	sadd.s32 $0x180, s30  }
0x31: {  	s31 =	sshll.u32 s0, $0x4  }
0x32: {  	s31 =	sor.u32 $0x500, s31  }
0x33: {  	[tilespmem:s31], [sflag:$0x2] =	stream.indirect.gather [hbm4b:s4+s14], $0x10, s0, s14, $0xb8;
	[tilespmem:$0x12100] =	vst v63  }
0x34: {  	s0 =	sadd.s32 $0x200, s30  }
0x35: {  	s30 =	sshll.u32 s0, $0x4  }
0x36: {  	s30 =	sor.u32 $0x500, s30  }
0x37: {  	[tilespmem:s30], [sflag:$0x2] =	stream.indirect.gather [hbm4b:s4+s14], $0x10, s0, s14, $0xb8;
	[tilespmem:$0x12100] =	vst v63  }
0x38: {  	_ =	swait.ge [sflag:s23], $0x800  }
0x39: {  	[sflag:s23] =	ssyncset.done $0x0  }
0x3a: {  	[sflag:s23] =	ssyncadd.s32 $0xFFFFF800  }
0x3b: {  	_ =	swait.ge [sflag:s23], $0x800  }
0x3c: {  	[sflag:s23] =	ssyncset.done $0x0  }
0x3d: {  	[sflag:s23] =	ssyncadd.s32 $0xFFFFF800  }
0x3e: {  	_ =	swait.ge [sflag:s23], $0x800  }
0x3f: {  	[sflag:s23] =	ssyncset.done $0x0  }
0x40: {  	s31 =	smov.u32 s7;
	s0 =	smin.u32 s1, $0x30;
	[sflag:s23] =	ssyncadd.s32 $0xFFFFF800  }
0x41: {  	s30 =	smul.u32 $0x280, s0;
	s0 =	sand.u32 $0x1, s0;
	_ =	swait.ge [sflag:s23], $0x800  }
0x42: {  	p0 =	seq.s32 s0, $0x1;
	s0 =	simm.s32 $0x280;
	[sflag:s23] =	ssyncset.done $0x0  }
0x43: {  	s30 =	sadd.s32 s30, s8;
	s0 =	simm.s32 @!p0 $0x0;
	[sflag:s23] =	ssyncadd.s32 $0xFFFFF800  }
0x44: {  	p0 =	slt.u32 s1, $0x30;
	s30 =	sshrl.u32 s30, $0x3;
	_ =	swait.ge [sflag:s23], $0x800  }
0x45: {  	s1 =	sand.u32 $0x1, s1;
	s30 =	sadd.s32 s3, s30;
	[sflag:s23] =	ssyncset.done $0x0  }
0x46: {  	s31 =	smov.u32 @p0 s30;
	s30 =	simm.s32 $0x0;
	[sflag:s23] =	ssyncadd.s32 $0xFFFFF800  }
0x47: {  	[tilespmem:s0], [sflag:$0x1] =	stream.linear.gather [hbm4b:s31+s30], $0x280, $0x38;
	[tilespmem:$0x12100] =	vst v63  }
0x48: {  	p0 =	seq.s32 s1, $0x1;
	s31 =	simm.s32 $0x2DA0  }
0x49: {  	s31 =	simm.s32 @!p0 $0x5A0  }
0x4a: {  	v1 =	vld [tilespmem:s31+$0xFFFFFF60]  }
0x4b: {  	v2 =	vld [tilespmem:s31+$0xFFFFFF70]  }
0x4c: {  	v0 =	vmov s28;
	s1 =	simm.s32 $0x80  }
.LBB2_4:
0x4d: {  	p0 =	seq.s32 s1, $0xF80;
	v3 =	vld [tilespmem:s31+$0xFFFFFF80];
	_ =	sdelay $0x1  }
0x4e: {  	v4 =	vand.u32 $0xFFFF0000, v1;
	v5 =	vld [tilespmem:s31+$0xFFFFFF90]  }
0x4f: {  	v1 =	vshll.u32 v1, $0x10;
	v6 =	vshll.u32 v2, $0x10;
	v2 =	vand.u32 $0xFFFF0000, v2  }
0x50: {  	v1 =	vadd.f32 v6, v1;
	v6 =	vld [tilespmem:s31+$0xFFFFFFA0]  }
0x51: {  	v2 =	vadd.f32 v2, v4;
	v4 =	vshll.u32 v3, $0x10;
	v3 =	vand.u32 $0xFFFF0000, v3  }
0x52: {  	v1 =	vadd.f32 v4, v1;
	v4 =	vld [tilespmem:s31+$0xFFFFFFB0]  }
0x53: {  	v2 =	vadd.f32 v3, v2;
	v3 =	vshll.u32 v5, $0x10;
	v5 =	vand.u32 $0xFFFF0000, v5  }
0x54: {  	v1 =	vadd.f32 v3, v1;
	v3 =	vld [tilespmem:s31+$0xFFFFFFC0]  }
0x55: {  	v2 =	vadd.f32 v5, v2;
	v5 =	vshll.u32 v6, $0x10;
	v6 =	vand.u32 $0xFFFF0000, v6  }
0x56: {  	v1 =	vadd.f32 v5, v1;
	v5 =	vld [tilespmem:s31+$0xFFFFFFD0]  }
0x57: {  	v2 =	vadd.f32 v6, v2;
	v6 =	vshll.u32 v4, $0x10;
	v4 =	vand.u32 $0xFFFF0000, v4  }
0x58: {  	v1 =	vadd.f32 v6, v1;
	v6 =	vld [tilespmem:s31+$0xFFFFFFE0]  }
0x59: {  	v2 =	vadd.f32 v4, v2;
	v4 =	vshll.u32 v3, $0x10;
	v3 =	vand.u32 $0xFFFF0000, v3  }
0x5a: {  	v1 =	vadd.f32 v4, v1;
	v4 =	vld [tilespmem:s31+$0xFFFFFFF0]  }
0x5b: {  	v2 =	vadd.f32 v3, v2;
	v3 =	vshll.u32 v5, $0x10;
	v5 =	vand.u32 $0xFFFF0000, v5  }
0x5c: {  	v1 =	vadd.f32 v3, v1;
	v3 =	vld [tilespmem:s31+$0x0]  }
0x5d: {  	v2 =	vadd.f32 v5, v2;
	v5 =	vshll.u32 v6, $0x10;
	v6 =	vand.u32 $0xFFFF0000, v6  }
0x5e: {  	v1 =	vadd.f32 v5, v1;
	v5 =	vld [tilespmem:s31+$0x10]  }
0x5f: {  	v2 =	vadd.f32 v6, v2;
	v6 =	vshll.u32 v4, $0x10;
	v4 =	vand.u32 $0xFFFF0000, v4  }
0x60: {  	v1 =	vadd.f32 v6, v1;
	v6 =	vld [tilespmem:s31+$0x20]  }
0x61: {  	v2 =	vadd.f32 v4, v2;
	v4 =	vshll.u32 v3, $0x10;
	v3 =	vand.u32 $0xFFFF0000, v3  }
0x62: {  	v1 =	vadd.f32 v4, v1;
	v4 =	vld [tilespmem:s31+$0x30]  }
0x63: {  	v2 =	vadd.f32 v3, v2;
	v3 =	vshll.u32 v5, $0x10;
	v5 =	vand.u32 $0xFFFF0000, v5  }
0x64: {  	v1 =	vadd.f32 v3, v1;
	v3 =	vld [tilespmem:s31+$0x40]  }
0x65: {  	v2 =	vadd.f32 v5, v2;
	v5 =	vshll.u32 v6, $0x10;
	v6 =	vand.u32 $0xFFFF0000, v6  }
0x66: {  	v1 =	vadd.f32 v5, v1;
	v5 =	vld [tilespmem:s31+$0x50]  }
0x67: {  	v2 =	vadd.f32 v6, v2;
	v6 =	vshll.u32 v4, $0x10;
	v4 =	vand.u32 $0xFFFF0000, v4  }
0x68: {  	v1 =	vadd.f32 v6, v1;
	v6 =	vld [tilespmem:s31+$0x60]  }
0x69: {  	v2 =	vadd.f32 v4, v2;
	v4 =	vshll.u32 v3, $0x10;
	v3 =	vand.u32 $0xFFFF0000, v3  }
0x6a: {  	v1 =	vadd.f32 v4, v1;
	v4 =	vld [tilespmem:s31+$0x70]  }
0x6b: {  	v2 =	vadd.f32 v3, v2;
	v3 =	vshll.u32 v5, $0x10;
	v5 =	vand.u32 $0xFFFF0000, v5  }
0x6c: {  	v1 =	vadd.f32 v3, v1;
	v3 =	vld [tilespmem:s31+$0x80]  }
0x6d: {  	v2 =	vadd.f32 v5, v2;
	v5 =	vshll.u32 v6, $0x10;
	v6 =	vand.u32 $0xFFFF0000, v6  }
0x6e: {  	v1 =	vadd.f32 v5, v1;
	v5 =	vld [tilespmem:s31+$0x90]  }
0x6f: {  	v2 =	vadd.f32 v6, v2;
	v6 =	vshll.u32 v4, $0x10;
	v4 =	vand.u32 $0xFFFF0000, v4  }
0x70: {  	v1 =	vadd.f32 v6, v1  }
0x71: {  	v2 =	vadd.f32 v4, v2;
	v4 =	vshll.u32 v3, $0x10;
	v3 =	vand.u32 $0xFFFF0000, v3  }
0x72: {  	v1 =	vadd.f32 v4, v1  }
0x73: {  	v2 =	vadd.f32 v3, v2;
	v3 =	vshll.u32 v5, $0x10;
	v4 =	vand.u32 $0xFFFF0000, v5  }
0x74: {  	v1 =	vadd.f32 v3, v1  }
0x75: {  	s0 =	sshra.s32 s30, $0x2;
	s30 =	smov.u32 s1;
	v2 =	vadd.f32 v4, v2  }
.Ltmp0:
0x76: {  	[tilespmem:v0+s0+$0xFFFFFFF0 ss:$0x1] =	vst.idx.msk $0xffff, v1;
	(pc) =	sbr.rel @!p0 .LBB2_4-.Ltmp0, $4  }
0x77: {  	s31 =	sadd.s32 $0x140, s31;
	[tilespmem:v0+s0+$0x0 ss:$0x1] =	vst.idx.msk $0xffff, v2  }
0x78: {  	v1 =	vld [tilespmem:s31+$0xFFFFFF60]  }
0x79: {  	v2 =	vld [tilespmem:s31+$0xFFFFFF70]  }
0x7a: {  	s1 =	sadd.s32 $0x80, s1  }
0x7b: {  	v3 =	vld [tilespmem:s31+$0xFFFFFF80];
	_ =	sdelay $0x1  }
0x7c: {  	v4 =	vld [tilespmem:s31+$0xFFFFFF90]  }
0x7d: {  	v5 =	vshll.u32 v1, $0x10;
	v6 =	vshll.u32 v2, $0x10  }
0x7e: {  	v30 =	vld [tilespmem:s31+$0xFFFFFFA0];
	v28 =	vand.u32 $0xFFFF0000, v1;
	v29 =	vand.u32 $0xFFFF0000, v2;
	v5 =	vadd.f32 v6, v5  }
0x7f: {  	v1 =	vadd.f32 v29, v28;
	v31 =	vshll.u32 v3, $0x10  }
0x80: {  	v32 =	vld [tilespmem:s31+$0xFFFFFFB0];
	v3 =	vand.u32 $0xFFFF0000, v3;
	v2 =	vadd.f32 v31, v5  }
0x81: {  	v33 =	vshll.u32 v4, $0x10;
	v1 =	vadd.f32 v3, v1  }
0x82: {  	v34 =	vld [tilespmem:s31+$0xFFFFFFC0];
	v4 =	vand.u32 $0xFFFF0000, v4;
	v2 =	vadd.f32 v33, v2  }
0x83: {  	v35 =	vshll.u32 v30, $0x10;
	v1 =	vadd.f32 v4, v1  }
0x84: {  	v36 =	vld [tilespmem:s31+$0xFFFFFFD0];
	v6 =	vand.u32 $0xFFFF0000, v30;
	v2 =	vadd.f32 v35, v2  }
0x85: {  	v37 =	vshll.u32 v32, $0x10;
	v1 =	vadd.f32 v6, v1  }
0x86: {  	v38 =	vld [tilespmem:s31+$0xFFFFFFE0];
	v5 =	vand.u32 $0xFFFF0000, v32;
	v2 =	vadd.f32 v37, v2  }
0x87: {  	v39 =	vshll.u32 v34, $0x10;
	v1 =	vadd.f32 v5, v1  }
0x88: {  	v40 =	vld [tilespmem:s31+$0xFFFFFFF0];
	v3 =	vand.u32 $0xFFFF0000, v34;
	v2 =	vadd.f32 v39, v2  }
0x89: {  	v41 =	vshll.u32 v36, $0x10;
	v1 =	vadd.f32 v3, v1  }
0x8a: {  	v42 =	vld [tilespmem:s31+$0x0];
	v4 =	vand.u32 $0xFFFF0000, v36;
	v2 =	vadd.f32 v41, v2  }
0x8b: {  	v43 =	vshll.u32 v38, $0x10;
	v1 =	vadd.f32 v4, v1  }
0x8c: {  	v44 =	vld [tilespmem:s31+$0x10];
	v6 =	vand.u32 $0xFFFF0000, v38;
	v2 =	vadd.f32 v43, v2  }
0x8d: {  	v45 =	vshll.u32 v40, $0x10;
	v1 =	vadd.f32 v6, v1  }
0x8e: {  	v46 =	vld [tilespmem:s31+$0x20];
	v5 =	vand.u32 $0xFFFF0000, v40;
	v2 =	vadd.f32 v45, v2  }
0x8f: {  	v47 =	vshll.u32 v42, $0x10;
	v1 =	vadd.f32 v5, v1  }
0x90: {  	v48 =	vld [tilespmem:s31+$0x30];
	v3 =	vand.u32 $0xFFFF0000, v42;
	v2 =	vadd.f32 v47, v2  }
0x91: {  	v49 =	vshll.u32 v44, $0x10;
	v1 =	vadd.f32 v3, v1  }
0x92: {  	v50 =	vld [tilespmem:s31+$0x40];
	v4 =	vand.u32 $0xFFFF0000, v44;
	v2 =	vadd.f32 v49, v2  }
0x93: {  	v51 =	vshll.u32 v46, $0x10;
	v1 =	vadd.f32 v4, v1  }
0x94: {  	v52 =	vld [tilespmem:s31+$0x50];
	v6 =	vand.u32 $0xFFFF0000, v46;
	v2 =	vadd.f32 v51, v2  }
0x95: {  	v53 =	vshll.u32 v48, $0x10;
	v1 =	vadd.f32 v6, v1  }
0x96: {  	v54 =	vld [tilespmem:s31+$0x60];
	v5 =	vand.u32 $0xFFFF0000, v48;
	v2 =	vadd.f32 v53, v2  }
0x97: {  	v55 =	vshll.u32 v50, $0x10;
	v1 =	vadd.f32 v5, v1  }
0x98: {  	v56 =	vld [tilespmem:s31+$0x70];
	v3 =	vand.u32 $0xFFFF0000, v50;
	v2 =	vadd.f32 v55, v2  }
0x99: {  	v57 =	vshll.u32 v52, $0x10;
	v1 =	vadd.f32 v3, v1  }
0x9a: {  	v58 =	vld [tilespmem:s31+$0x80];
	v4 =	vand.u32 $0xFFFF0000, v52;
	v2 =	vadd.f32 v57, v2  }
0x9b: {  	v59 =	vshll.u32 v54, $0x10;
	v1 =	vadd.f32 v4, v1  }
0x9c: {  	v60 =	vld [tilespmem:s31+$0x90];
	v6 =	vand.u32 $0xFFFF0000, v54;
	v2 =	vadd.f32 v59, v2  }
0x9d: {  	v61 =	vshll.u32 v56, $0x10;
	v1 =	vadd.f32 v6, v1  }
0x9e: {  	v5 =	vand.u32 $0xFFFF0000, v56;
	v2 =	vadd.f32 v61, v2  }
0x9f: {  	v62 =	vshll.u32 v58, $0x10;
	v1 =	vadd.f32 v5, v1  }
0xa0: {  	v3 =	vand.u32 $0xFFFF0000, v58;
	v2 =	vadd.f32 v62, v2  }
0xa1: {  	v63 =	vshll.u32 v60, $0x10;
	v1 =	vadd.f32 v3, v1  }
0xa2: {  	v4 =	vand.u32 $0xFFFF0000, v60;
	v2 =	vadd.f32 v63, v2  }
0xa3: {  	s0 =	sshra.s32 s30, $0x2;
	v1 =	vadd.f32 v4, v1  }
0xa4: {  	[tilespmem:v0+s0+$0xFFFFFFF0 ss:$0x1] =	vst.idx.msk $0xffff, v2  }
0xa5: {  	[tilespmem:v0+s0+$0x0 ss:$0x1] =	vst.idx.msk $0xffff, v1  }
0xa6: {  	p0 =	seq.s32 s29, $0x33  }
.Ltmp1:
0xa7: {  	_ = 	snop;
	(pc) =	sbr.rel @!p0 .LBB2_3-.Ltmp1, $2  }
0xa8: {  	_ =	sdelay $0x2  }
0xa9: {  	s28 =	sadd.s32 $0x400, s28  }
0xaa: {  	_ =	swait.ge [sflag:s13], $0x280  }
0xab: {  	[sflag:s13] =	ssyncset.done $0x0  }
0xac: {  	[sflag:s13] =	ssyncadd.s32 $0xFFFFFD80  }
0xad: {  	_ =	swait.ge [sflag:s23], $0x800  }
0xae: {  	[sflag:s23] =	ssyncset.done $0x0  }
0xaf: {  	[sflag:s23] =	ssyncadd.s32 $0xFFFFF800  }
0xb0: {  	_ =	swait.ge [sflag:s23], $0x800  }
0xb1: {  	[sflag:s23] =	ssyncset.done $0x0  }
0xb2: {  	[sflag:s23] =	ssyncadd.s32 $0xFFFFF800  }
0xb3: {  	_ =	swait.ge [sflag:s23], $0x800  }
0xb4: {  	[sflag:s23] =	ssyncset.done $0x0  }
0xb5: {  	[sflag:s23] =	ssyncadd.s32 $0xFFFFF800  }
0xb6: {  	_ =	swait.ge [sflag:s23], $0x800  }
0xb7: {  	[sflag:s23] =	ssyncset.done $0x0  }
0xb8: {  	[sflag:s23] =	ssyncadd.s32 $0xFFFFF800  }
0xb9: {  	_ =	swait.ge [sflag:s23], $0x800  }
0xba: {  	s1 =	simm.s32 $0x5500;
	s28 =	simm.s32 $0xC8;
	[sflag:s23] =	ssyncset.done $0x0  }
0xbb: {  	s30 =	sadd.s32 $0x0, s11;
	s29 =	simm.s32 $0x5B40;
	[sflag:s23] =	ssyncadd.s32 $0xFFFFF800  }
.LBB2_7:
0xbc: {  	[hbm4b:s30+s2] =	stream.linear.scatter [tilespmem:s1], [sflag:$0x1], $0x640, $0x38;
	[tilespmem:$0x12100] =	vst v63  }
0xbd: {  	s0 =	smov.u32 s28;
	s1 =	smov.u32 s29;
	p0 =	sne.s32 s28, $0x1838  }
.Ltmp2:
0xbe: {  	s28 =	sadd.s32 $0xC8, s28;
	(pc) =	sbr.rel @p0 .LBB2_7-.Ltmp2, $2  }
0xbf: {  	_ =	sdelay $0x2  }
0xc0: {  	s29 =	sadd.s32 $0x640, s29;
	s30 =	sadd.s32 s0, s11  }
0xc1: {  	[hbm4b:s30+s2] =	stream.linear.scatter [tilespmem:s1], [sflag:$0x1], $0x640, $0x38;
	[tilespmem:$0x12100] =	vst v63  }
0xc2: {  	_ = 	snop  }
0xc3: {  	[hbm4b:s9+s2] =	stream.linear.scatter [tilespmem:s24], [sflag:$0x3], $0x400, $0x38;
	[tilespmem:$0x12100] =	vst v63  }
0xc4: {  	_ =	swait.ge [sflag:s25], $0x400  }
0xc5: {  	[sflag:s25] =	ssyncset.done $0x0  }
0xc6: {  	[sflag:s25] =	ssyncadd.s32 $0xFFFFFC00  }
0xc7: {  	_ =	swait.ge [sflag:s13], $0x640  }
0xc8: {  	[sflag:s13] =	ssyncset.done $0x0  }
0xc9: {  	[sflag:s13] =	ssyncadd.s32 $0xFFFFF9C0  }
0xca: {  	_ =	swait.ge [sflag:s13], $0x640  }
0xcb: {  	[sflag:s13] =	ssyncset.done $0x0  }
0xcc: {  	[sflag:s13] =	ssyncadd.s32 $0xFFFFF9C0  }
0xcd: {  	_ =	swait.ge [sflag:s13], $0x640  }
0xce: {  	[sflag:s13] =	ssyncset.done $0x0  }
0xcf: {  	[sflag:s13] =	ssyncadd.s32 $0xFFFFF9C0  }
0xd0: {  	_ =	swait.ge [sflag:s13], $0x640  }
0xd1: {  	[sflag:s13] =	ssyncset.done $0x0  }
0xd2: {  	[sflag:s13] =	ssyncadd.s32 $0xFFFFF9C0  }
0xd3: {  	_ =	swait.ge [sflag:s13], $0x640  }
0xd4: {  	[sflag:s13] =	ssyncset.done $0x0  }
0xd5: {  	[sflag:s13] =	ssyncadd.s32 $0xFFFFF9C0  }
0xd6: {  	_ =	swait.ge [sflag:s13], $0x640  }
0xd7: {  	[sflag:s13] =	ssyncset.done $0x0  }
0xd8: {  	[sflag:s13] =	ssyncadd.s32 $0xFFFFF9C0  }
0xd9: {  	_ =	swait.ge [sflag:s13], $0x640  }
0xda: {  	[sflag:s13] =	ssyncset.done $0x0  }
0xdb: {  	[sflag:s13] =	ssyncadd.s32 $0xFFFFF9C0  }
0xdc: {  	_ =	swait.ge [sflag:s13], $0x640  }
0xdd: {  	[sflag:s13] =	ssyncset.done $0x0  }
0xde: {  	[sflag:s13] =	ssyncadd.s32 $0xFFFFF9C0  }
0xdf: {  	_ =	swait.ge [sflag:s13], $0x640  }
0xe0: {  	[sflag:s13] =	ssyncset.done $0x0  }
0xe1: {  	[sflag:s13] =	ssyncadd.s32 $0xFFFFF9C0  }
0xe2: {  	_ =	swait.ge [sflag:s13], $0x640  }
0xe3: {  	[sflag:s13] =	ssyncset.done $0x0  }
0xe4: {  	[sflag:s13] =	ssyncadd.s32 $0xFFFFF9C0  }
0xe5: {  	_ =	swait.ge [sflag:s13], $0x640  }
0xe6: {  	[sflag:s13] =	ssyncset.done $0x0  }
0xe7: {  	[sflag:s13] =	ssyncadd.s32 $0xFFFFF9C0  }
0xe8: {  	_ =	swait.ge [sflag:s13], $0x640  }
0xe9: {  	[sflag:s13] =	ssyncset.done $0x0  }
0xea: {  	[sflag:s13] =	ssyncadd.s32 $0xFFFFF9C0  }
0xeb: {  	_ =	swait.ge [sflag:s13], $0x640  }
0xec: {  	[sflag:s13] =	ssyncset.done $0x0  }
0xed: {  	[sflag:s13] =	ssyncadd.s32 $0xFFFFF9C0  }
0xee: {  	_ =	swait.ge [sflag:s13], $0x640  }
0xef: {  	[sflag:s13] =	ssyncset.done $0x0  }
0xf0: {  	[sflag:s13] =	ssyncadd.s32 $0xFFFFF9C0  }
0xf1: {  	_ =	swait.ge [sflag:s13], $0x640  }
0xf2: {  	[sflag:s13] =	ssyncset.done $0x0  }
0xf3: {  	[sflag:s13] =	ssyncadd.s32 $0xFFFFF9C0  }
0xf4: {  	_ =	swait.ge [sflag:s13], $0x640  }
0xf5: {  	[sflag:s13] =	ssyncset.done $0x0  }
0xf6: {  	[sflag:s13] =	ssyncadd.s32 $0xFFFFF9C0  }
0xf7: {  	_ =	swait.ge [sflag:s13], $0x640  }
0xf8: {  	[sflag:s13] =	ssyncset.done $0x0  }
0xf9: {  	[sflag:s13] =	ssyncadd.s32 $0xFFFFF9C0  }
0xfa: {  	_ =	swait.ge [sflag:s13], $0x640  }
0xfb: {  	[sflag:s13] =	ssyncset.done $0x0  }
0xfc: {  	[sflag:s13] =	ssyncadd.s32 $0xFFFFF9C0  }
0xfd: {  	_ =	swait.ge [sflag:s13], $0x640  }
0xfe: {  	[sflag:s13] =	ssyncset.done $0x0  }
0xff: {  	[sflag:s13] =	ssyncadd.s32 $0xFFFFF9C0  }
0x100: {  	_ =	swait.ge [sflag:s13], $0x640  }
0x101: {  	[sflag:s13] =	ssyncset.done $0x0  }
0x102: {  	[sflag:s13] =	ssyncadd.s32 $0xFFFFF9C0  }
0x103: {  	_ =	swait.ge [sflag:s13], $0x640  }
0x104: {  	[sflag:s13] =	ssyncset.done $0x0  }
0x105: {  	[sflag:s13] =	ssyncadd.s32 $0xFFFFF9C0  }
0x106: {  	_ =	swait.ge [sflag:s13], $0x640  }
0x107: {  	[sflag:s13] =	ssyncset.done $0x0  }
0x108: {  	[sflag:s13] =	ssyncadd.s32 $0xFFFFF9C0  }
0x109: {  	_ =	swait.ge [sflag:s13], $0x640  }
0x10a: {  	[sflag:s13] =	ssyncset.done $0x0  }
0x10b: {  	[sflag:s13] =	ssyncadd.s32 $0xFFFFF9C0  }
0x10c: {  	_ =	swait.ge [sflag:s13], $0x640  }
0x10d: {  	[sflag:s13] =	ssyncset.done $0x0  }
0x10e: {  	[sflag:s13] =	ssyncadd.s32 $0xFFFFF9C0  }
0x10f: {  	_ =	swait.ge [sflag:s13], $0x640  }
0x110: {  	[sflag:s13] =	ssyncset.done $0x0  }
0x111: {  	[sflag:s13] =	ssyncadd.s32 $0xFFFFF9C0  }
0x112: {  	_ =	swait.ge [sflag:s13], $0x640  }
0x113: {  	[sflag:s13] =	ssyncset.done $0x0  }
0x114: {  	[sflag:s13] =	ssyncadd.s32 $0xFFFFF9C0  }
0x115: {  	_ =	swait.ge [sflag:s13], $0x640  }
0x116: {  	[sflag:s13] =	ssyncset.done $0x0  }
0x117: {  	[sflag:s13] =	ssyncadd.s32 $0xFFFFF9C0  }
0x118: {  	_ =	swait.ge [sflag:s13], $0x640  }
0x119: {  	[sflag:s13] =	ssyncset.done $0x0  }
0x11a: {  	[sflag:s13] =	ssyncadd.s32 $0xFFFFF9C0  }
0x11b: {  	_ =	swait.ge [sflag:s13], $0x640  }
0x11c: {  	[sflag:s13] =	ssyncset.done $0x0  }
0x11d: {  	[sflag:s13] =	ssyncadd.s32 $0xFFFFF9C0  }
0x11e: {  	_ =	swait.ge [sflag:s13], $0x640  }
0x11f: {  	[sflag:s13] =	ssyncset.done $0x0  }
0x120: {  	s26 =	sadd.s32 $0x1, s26;
	[sflag:s13] =	ssyncadd.s32 $0xFFFFF9C0  }
0x121: {  	p0 =	sne.s32 s26, s10;
	_ =	swait.ge [sflag:s13], $0x640  }
.Ltmp3:
0x122: {  	[sflag:s13] =	ssyncset.done $0x0;
	(pc) =	sbr.rel @p0 .LBB2_1-.Ltmp3, $4  }
0x123: {  	[sflag:s13] =	ssyncadd.s32 $0xFFFFF9C0  }
0x124: {  	_ =	swait.ge [sflag:s13], $0x640  }
0x125: {  	[sflag:s13] =	ssyncset.done $0x0  }
0x126: {  	[sflag:s13] =	ssyncadd.s32 $0xFFFFF9C0  }
0x127: {  	_ =	sfence.sel $0x180000  }
0x128: {  	[bflag:$0x0] =	sbarrier.arrive $0xFFFF  }
0x129: {  	_ =	strace $0x90000047  }
0x12a: {  	s0 =	stileid.u32;
	[bflag:$0x2] =	sbarrier.arrive $0xFFFF  }
0x12b: {  	p0 =	sne.s32 s0, $0x0;
	s0 =	rddreg [dreg:$0x2]  }
0x12c: {  	s0 =	sadd.s32 @!p0 $0x100000, s0  }
0x12d: {  	[sflag:s0] =	ssyncadd.tile.s32 @!p0 $0x1;
	_ =	shalt  }
.Lfunc_end2:
_tile_overlayer_lowered:
.L_overlay_start_2:
0x12e: {  	(tag) =	ssettag $0x2  }
0x12f: {  	s0 =	rddreg [dreg:$0x0];
	s2 =	stileid.u32  }
0x130: {  	s1 =	rddreg [dreg:$0x1];
	p0 =	sne.s32 s2, $0x0  }
0x131: {  	s3 =	rddreg [dreg:$0x2];
	[bflag:$0x3] =	sbarrier.arrive $0xFFFF;
	s2 =	simm.s32 @!p0 $0x1C03  }
0x132: {  	[timem:s3], [sflag:s2] =	dma.local @!p0 [hbm:s0], s1  }
0x133: {  	s0 =	simm.s32 @!p0 $0x3  }
0x134: {  	_ =	swait.ge @!p0 [sflag:s0], s1  }
0x135: {  	s1 =	ssub.s32 @!p0 $0x0, s1;
	[sflag:s0] =	ssyncset.done @!p0 $0x0  }
0x136: {  	[sflag:s0] =	ssyncadd.s32 @!p0 s1  }
0x137: {  	[bflag:$0x3] =	sbarrier.arrive $0xFFFF  }
0x138: {  	_ =	shalt  }

</sc_bundles>
